<compile_context>
chip_gen: v7x
topology: tpu7x:2x2x1
jax: 0.10.2.dev20260603
libtpu: 0.0.44.dev20260713+nightly
codegen_flags: <defaults>
</compile_context>

<pallas_src>
import functools

import jax
import jax.numpy as jnp
from jax import lax
from jax.experimental import pallas as pl
from jax.experimental.pallas import tpu as pltpu
from jax.experimental.pallas import tpu_sc as plsc

_N = 10000
_NP = 10240
_D = 256
_KP1 = 33
_RB = 200
_NBLK = _N // _RB
_NEG = -3.0
_BIG = 2**30
_CAP = 64
_SLOTS = 24
_NSP = 16 * _SLOTS
_NW = 32
_NH = 1
_H = _N // _NH
_RPW = 320
_OW = 48


def _emb_body(x_ref, w1_ref, b1_ref, w2_ref, b2_ref, out_ref):
    x = x_ref[...]
    h = lax.dot_general(x, w1_ref[...], (((1,), (1,)), ((), ())))
    h = jnp.maximum(h + b1_ref[...], 0.0)
    h = lax.dot_general(h, w2_ref[...], (((1,), (1,)), ((), ()))) + b2_ref[...]
    norm = jnp.sqrt(jnp.sum(h * h, axis=1, keepdims=True))
    out_ref[...] = h / jnp.maximum(norm, 1e-12)


def _sims_tau_body(row0, xn_ref, sims_ref, tau_ref):
    i = pl.program_id(0)
    q = xn_ref[pl.ds(row0 + i * _RB, _RB), :]
    s = lax.dot_general(q, xn_ref[...], (((1,), (1,)), ((), ())))
    b = jnp.concatenate([s, jnp.full((_RB, _NP - _N), _NEG, jnp.float32)], axis=1)
    sims_ref[...] = b.reshape(-1)
    for width in (5120, 2560, 1280, 640):
        b = jnp.maximum(b[:, :width], b[:, width:])
    t = None
    for _ in range(_KP1):
        m = jnp.max(b, axis=1, keepdims=True)
        b = jnp.where(b == m, _NEG, b)
        t = m
    tau_ref[...] = t


def _sc_topk_body(sims, tauw, valso, indso,
                  rowb0, rowb1, tau_v, spidx, candi, outv, outi,
                  sem0, sem1):
    cidx = lax.axis_index("c")
    sidx = lax.axis_index("s")
    wid = sidx * 2 + cidx
    row_start = wid * _RPW
    iota = lax.iota(jnp.int32, 16)
    lane0 = iota == 0
    zeros16 = jnp.zeros((16,), jnp.int32)

    def fetch(r, buf, sem):
        base = jnp.minimum(r, _H - 1) * _NP
        pltpu.make_async_copy(sims.at[pl.ds(base, _NP)], buf, sem).start()

    def drain(r, buf, sem):
        base = jnp.minimum(r, _H - 1) * _NP
        pltpu.make_async_copy(sims.at[pl.ds(base, _NP)], buf, sem).wait()

    pltpu.sync_copy(tauw.at[wid], tau_v)

    lanebase = iota * _SLOTS
    lanecap = lanebase + (_SLOTS - 1)

    def gather_cands(r_local, rowb):
        tau_b = plsc.load_gather(tau_v, [jnp.broadcast_to(r_local, (16,))])
        for k in range(_NSP // 16):
            spidx[pl.ds(k * 16, 16)] = jnp.full((16,), _BIG, jnp.int32)

        @plsc.parallel_loop(0, _NP // 16, 1, unroll=8,
                            carry=(jnp.zeros((16,), jnp.int32), iota))
        def _scan(c, carry):
            c_vec, idxv = carry
            v = rowb[pl.ds(c * 16, 16)]
            m = v >= tau_b
            pos = jnp.minimum(lanebase + c_vec, lanecap)
            plsc.store_scatter(spidx, [pos], idxv, mask=m)
            return (c_vec + m.astype(jnp.int32), idxv + 16)

        for j in range(_CAP // 16):
            candi[pl.ds(j * 16, 16)] = jnp.full((16,), _BIG, jnp.int32)

        @plsc.parallel_loop(0, _NSP // 16, 1, unroll=4,
                            carry=jnp.zeros((16,), jnp.int32))
        def _compact(k, off_vec):
            ixs = spidx[pl.ds(k * 16, 16)]
            m = ixs < _BIG
            cum = plsc.cumsum(m.astype(jnp.int32))
            cnt = plsc.all_reduce_population_count(m)
            pos = jnp.minimum(off_vec + cum - 1, _CAP - 1)
            plsc.store_scatter(candi, [pos], ixs, mask=m)
            return off_vec + cnt

        vs = []
        ixs = []
        for j in range(4):
            vix = candi[pl.ds(j * 16, 16)]
            g = plsc.load_gather(rowb, [jnp.minimum(vix, _NP - 1)])
            vs.append(jnp.where(vix >= _BIG, _NEG, g))
            ixs.append(vix)
        return vs, ixs

    def step1(vs, ixs, i_prev):
        mval = jnp.full((16,), -9.0, jnp.float32)
        midx = jnp.full((16,), _BIG, jnp.int32)
        for j in range(4):
            vs[j] = jnp.where(ixs[j] == i_prev, _NEG, vs[j])
            better = (vs[j] > mval) | ((vs[j] == mval) & (ixs[j] < midx))
            mval = jnp.where(better, vs[j], mval)
            midx = jnp.where(better, ixs[j], midx)
        m_sc = jnp.max(mval)
        i_sc = jnp.min(jnp.where(mval == m_sc, midx, _BIG))
        return i_sc, m_sc, vs

    def emit(r_local, t, m_sc, i_sc):
        prow = jnp.broadcast_to(r_local, (16,))
        pcol = jnp.broadcast_to(t, (16,))
        plsc.store_scatter(outv, [prow, pcol],
                           jnp.broadcast_to(m_sc, (16,)), mask=lane0)
        plsc.store_scatter(outi, [prow, pcol],
                           jnp.broadcast_to(i_sc, (16,)), mask=lane0)

    def extract2(ra, ca, rb, cb):
        vsa, ixsa = ca
        vsb, ixsb = cb

        def t_body(t, carry):
            ia, ib = carry[0], carry[1]
            vsa = list(carry[2:6])
            vsb = list(carry[6:10])
            ia, ma, vsa = step1(vsa, ixsa, ia)
            ib, mb, vsb = step1(vsb, ixsb, ib)
            emit(ra, t, ma, ia)
            emit(rb, t, mb, ib)
            return (ia, ib, *vsa, *vsb)

        init = (jnp.int32(_BIG), jnp.int32(_BIG), *vsa, *vsb)
        lax.fori_loop(0, _KP1, t_body, init)

    fetch(row_start, rowb0, sem0)

    def pair_body(p, _):
        r = row_start + 2 * p
        fetch(r + 1, rowb1, sem1)
        drain(r, rowb0, sem0)
        ca = gather_cands(2 * p, rowb0)
        fetch(r + 2, rowb0, sem0)
        drain(r + 1, rowb1, sem1)
        cb = gather_cands(2 * p + 1, rowb1)
        extract2(2 * p, ca, 2 * p + 1, cb)
        return 0

    lax.fori_loop(0, _RPW // 2, pair_body, 0)
    drain(row_start + _RPW, rowb0, sem0)

    pltpu.sync_copy(outv.at[pl.ds(0, _RPW)], valso.at[pl.ds(row_start, _RPW)])
    pltpu.sync_copy(outi.at[pl.ds(0, _RPW)], indso.at[pl.ds(row_start, _RPW)])


def kernel(features, W1, b1, W2, b2):
    xn = pl.pallas_call(
        _emb_body,
        grid=(5,),
        in_specs=[
            pl.BlockSpec((_N // 5, _D), lambda i: (i, 0)),
            pl.BlockSpec((_D, _D), lambda i: (0, 0)),
            pl.BlockSpec((1, _D), lambda i: (0, 0)),
            pl.BlockSpec((_D, _D), lambda i: (0, 0)),
            pl.BlockSpec((1, _D), lambda i: (0, 0)),
        ],
        out_specs=pl.BlockSpec((_N // 5, _D), lambda i: (i, 0)),
        out_shape=jax.ShapeDtypeStruct((_N, _D), jnp.float32),
    )(features, W1, b1.reshape(1, _D), W2, b2.reshape(1, _D))

    mesh = plsc.VectorSubcoreMesh(core_axis_name="c", subcore_axis_name="s")
    widx = (jnp.arange(_NW, dtype=jnp.int32)[:, None] * _RPW
            + jnp.arange(_RPW, dtype=jnp.int32)[None, :])
    valid = widx < _H

    vals_h = []
    inds_h = []
    for h in range(_NH):
        sims, tau = pl.pallas_call(
            functools.partial(_sims_tau_body, h * _H),
            grid=(_H // _RB,),
            in_specs=[pl.BlockSpec((_N, _D), lambda i: (0, 0))],
            out_specs=[
                pl.BlockSpec((_RB * _NP,), lambda i: (i,)),
                pl.BlockSpec((_RB, 1), lambda i: (i, 0)),
            ],
            out_shape=[
                jax.ShapeDtypeStruct((_H * _NP,), jnp.float32),
                jax.ShapeDtypeStruct((_H, 1), jnp.float32),
            ],
        )(xn)

        tauw = jnp.where(valid, tau.reshape(-1)[jnp.minimum(widx, _H - 1)], 2.0)

        valso, indso = pl.kernel(
            _sc_topk_body,
            mesh=mesh,
            compiler_params=pltpu.CompilerParams(needs_layout_passes=False),
            out_type=[
                jax.ShapeDtypeStruct((_NW * _RPW, _OW), jnp.float32),
                jax.ShapeDtypeStruct((_NW * _RPW, _OW), jnp.int32),
            ],
            scratch_types=[
                pltpu.VMEM((_NP,), jnp.float32),
                pltpu.VMEM((_NP,), jnp.float32),
                pltpu.VMEM((_RPW,), jnp.float32),
                pltpu.VMEM((_NSP,), jnp.int32),
                pltpu.VMEM((_CAP,), jnp.int32),
                pltpu.VMEM((_RPW, _OW), jnp.float32),
                pltpu.VMEM((_RPW, _OW), jnp.int32),
                pltpu.SemaphoreType.DMA,
                pltpu.SemaphoreType.DMA,
            ],
        )(sims, tauw)
        vals_h.append(valso[:_H, :_KP1])
        inds_h.append(indso[:_H, :_KP1])

    vals = jnp.concatenate(vals_h, axis=0)
    inds = jnp.concatenate(inds_h, axis=0)

    rows = jnp.repeat(jnp.arange(_N, dtype=jnp.int32), _KP1)
    cols = inds.reshape(-1)
    values = vals.reshape(-1)
    edge_index = jnp.stack(
        [jnp.concatenate([rows, cols]), jnp.concatenate([cols, rows])]
    )
    edge_weight = jax.nn.relu(jnp.concatenate([values, values]))
    return (edge_index, edge_weight)

# --- scband reference (transcript-rebuilt; emitter-appended) ---
"""Pipeline reference for scband-mlp-learner-17308718202969 (READ-ONLY COPY).

The authoritative reference and input builder live on the scoring server;
editing this copy changes nothing except your own understanding.
"""

import jax, jax.numpy as jnp
import numpy as np

N = 10000
D = 256
K = 32


def setup_inputs(seed: int = 0) -> dict:
    key = jax.random.key(seed)
    k1, k2, k3 = jax.random.split(key, 3)
    features = jax.random.normal(k1, (N, D), dtype=jnp.float32)
    # param_init sets every Linear weight to identity; biases keep default
    # nn.Linear init U(-1/sqrt(fan_in), 1/sqrt(fan_in))
    W1 = jnp.eye(D, dtype=jnp.float32)
    W2 = jnp.eye(D, dtype=jnp.float32)
    bound = 1.0 / np.sqrt(D)
    b1 = jax.random.uniform(k2, (D,), minval=-bound, maxval=bound, dtype=jnp.float32)
    b2 = jax.random.uniform(k3, (D,), minval=-bound, maxval=bound, dtype=jnp.float32)
    return {"features": features, "W1": W1, "b1": b1, "W2": W2, "b2": b2}


def _internal_forward(features, W1, b1, W2, b2):
    # nlayers == 2: Linear -> ReLU -> Linear
    h = features @ W1.T + b1
    h = jax.nn.relu(h)
    h = h @ W2.T + b2
    return h


def _knn_fast(X, k):
    # F.normalize(X, dim=1, p=2) with eps=1e-12 clamp
    norm = jnp.linalg.norm(X, axis=1, keepdims=True)
    Xn = X / jnp.clip(norm, 1e-12, None)
    # blockwise mm + topk in torch is equivalent to full row-wise topk
    sims = Xn @ Xn.T
    vals, inds = jax.lax.top_k(sims, k + 1)  # [N, k+1]
    n = Xn.shape[0]
    rows = jnp.repeat(jnp.arange(n, dtype=jnp.int64), k + 1)
    cols = inds.reshape(-1).astype(jnp.int64)
    values = vals.reshape(-1)
    rows_ = jnp.concatenate([rows, cols])
    cols_ = jnp.concatenate([cols, rows])
    edge_index = jnp.stack([rows_, cols_])
    edge_weight = jax.nn.relu(jnp.concatenate([values, values]))
    return edge_index, edge_weight


def reference(features, W1, b1, W2, b2):
    embeddings = _internal_forward(features, W1, b1, W2, b2)
    edge_index, edge_weight = _knn_fast(embeddings, K)
    return (edge_index, edge_weight)

if __name__ == "__main__":
    import jax
    _d = setup_inputs()
    print(jax.jit(kernel)(*tuple(_d.values())))

</pallas_src>

<mosaic_0001>
#map = affine_map<(d0, d1) -> (0)>
#map1 = affine_map<(d0, d1) -> (0, 0)>
module attributes {stable_mosaic.version = 14 : i64} {
  func.func @_sc_topk_body(%arg0: i32, %arg1: i32, %arg2: memref<102400000xf32, #tpu.memory_space<hbm>>, %arg3: memref<32x320xf32, #tpu.memory_space<hbm>>, %arg4: memref<10240x48xf32, #tpu.memory_space<hbm>>, %arg5: memref<10240x48xi32, #tpu.memory_space<hbm>>, %arg6: memref<10240xf32, #tpu.memory_space<vmem>>, %arg7: memref<10240xf32, #tpu.memory_space<vmem>>, %arg8: memref<320xf32, #tpu.memory_space<vmem>>, %arg9: memref<384xi32, #tpu.memory_space<vmem>>, %arg10: memref<64xi32, #tpu.memory_space<vmem>>, %arg11: memref<320x48xf32, #tpu.memory_space<vmem>>, %arg12: memref<320x48xi32, #tpu.memory_space<vmem>>, %arg13: memref<!tpu.dma_semaphore, #tpu.memory_space<semaphore_mem>>, %arg14: memref<!tpu.dma_semaphore, #tpu.memory_space<semaphore_mem>>) attributes {dimension_semantics = [#tpu.dimension_semantics<core_parallel>, #tpu.dimension_semantics<subcore_parallel>], iteration_bounds = array<i64: 2, 16>, scalar_prefetch = 0 : i64, scratch_operands = 9 : i64, tpu.core_type = #tpu.core_type<sc_vector_subcore>, window_params = [{transform_indices = #map}, {transform_indices = #map1}, {transform_indices = #map1}, {transform_indices = #map1}]} {
    %mul3A = arith.constant 2 : i32
    %mul3A_0 = arith.muli %arg1, %mul3A : i32
    %add3A = arith.addi %mul3A_0, %arg0 : i32
    %mul3A_1 = arith.constant 320 : i32
    %mul3A_2 = arith.muli %add3A, %mul3A_1 : i32
    %iota3A = tpu.iota {dimensions = array<i32: 0>} : vector<16xi32>
    %eq3A = arith.constant 0 : i32
    %eq3A_3 = vector.broadcast %eq3A : i32 to vector<16xi32>
    %eq3A_4 = arith.cmpi eq, %iota3A, %eq3A_3 : vector<16xi32>
    %broadcast_in_dim3A = arith.constant 0 : i32
    %broadcast_in_dim3A_5 = vector.broadcast %broadcast_in_dim3A : i32 to vector<16xi32>
    "tpu.region"() ({
      %run_scoped3A = tpu.sem_alloc : memref<!tpu.dma_semaphore, #tpu.memory_space<semaphore_mem>>
      %dma_start3A_29 = arith.constant 0 : i32
      %dma_start3A_30 = tpu.memref_slice %arg3[%add3A, %dma_start3A_29] : memref<32x320xf32, #tpu.memory_space<hbm>> -> memref<1x320xf32, #tpu.memory_space<hbm>>
      %dma_start3A_31 = tpu.memref_squeeze %dma_start3A_30 : memref<1x320xf32, #tpu.memory_space<hbm>> -> memref<320xf32, #tpu.memory_space<hbm>>
      %dma_start3A_32 = arith.constant 0 : i32
      %dma_start3A_33 = tpu.memref_slice %arg3[%add3A, %dma_start3A_32] : memref<32x320xf32, #tpu.memory_space<hbm>> -> memref<1x320xf32, #tpu.memory_space<hbm>>
      %dma_start3A_34 = tpu.memref_squeeze %dma_start3A_33 : memref<1x320xf32, #tpu.memory_space<hbm>> -> memref<320xf32, #tpu.memory_space<hbm>>
      tpu.enqueue_dma source(%dma_start3A_34 : memref<320xf32, #tpu.memory_space<hbm>>) target(%arg8 : memref<320xf32, #tpu.memory_space<vmem>>) target_semaphore(%run_scoped3A : memref<!tpu.dma_semaphore, #tpu.memory_space<semaphore_mem>>)
      %dma_wait3A_35 = arith.constant 0 : i32
      %dma_wait3A_36 = tpu.memref_slice %arg3[%add3A, %dma_wait3A_35] : memref<32x320xf32, #tpu.memory_space<hbm>> -> memref<1x320xf32, #tpu.memory_space<hbm>>
      %dma_wait3A_37 = tpu.memref_squeeze %dma_wait3A_36 : memref<1x320xf32, #tpu.memory_space<hbm>> -> memref<320xf32, #tpu.memory_space<hbm>>
      %dma_wait3A_38 = arith.constant 0 : i32
      %dma_wait3A_39 = tpu.memref_slice %arg3[%add3A, %dma_wait3A_38] : memref<32x320xf32, #tpu.memory_space<hbm>> -> memref<1x320xf32, #tpu.memory_space<hbm>>
      %dma_wait3A_40 = tpu.memref_squeeze %dma_wait3A_39 : memref<1x320xf32, #tpu.memory_space<hbm>> -> memref<320xf32, #tpu.memory_space<hbm>>
      tpu.wait_dma2 semaphore(%run_scoped3A : memref<!tpu.dma_semaphore, #tpu.memory_space<semaphore_mem>>) src(%dma_wait3A_40 : memref<320xf32, #tpu.memory_space<hbm>>) dst(%arg8 : memref<320xf32, #tpu.memory_space<vmem>>)
      tpu.yield
    }) : () -> ()
    %mul3A_6 = arith.constant 24 : i32
    %mul3A_7 = vector.broadcast %mul3A_6 : i32 to vector<16xi32>
    %mul3A_8 = arith.muli %iota3A, %mul3A_7 : vector<16xi32>
    %add3A_9 = arith.constant 23 : i32
    %add3A_10 = vector.broadcast %add3A_9 : i32 to vector<16xi32>
    %add3A_11 = arith.addi %mul3A_8, %add3A_10 : vector<16xi32>
    %min3A = arith.constant 9999 : i32
    %min3A_12 = arith.minsi %mul3A_2, %min3A : i32
    %mul3A_13 = arith.constant 10240 : i32
    %mul3A_14 = arith.muli %min3A_12, %mul3A_13 : i32
    %dma_start3A = tpu.memref_slice %arg2[%mul3A_14] : memref<102400000xf32, #tpu.memory_space<hbm>> -> memref<10240xf32, #tpu.memory_space<hbm>>
    %dma_start3A_15 = tpu.memref_slice %arg2[%mul3A_14] : memref<102400000xf32, #tpu.memory_space<hbm>> -> memref<10240xf32, #tpu.memory_space<hbm>>
    tpu.enqueue_dma source(%dma_start3A_15 : memref<10240xf32, #tpu.memory_space<hbm>>) target(%arg6 : memref<10240xf32, #tpu.memory_space<vmem>>) target_semaphore(%arg13 : memref<!tpu.dma_semaphore, #tpu.memory_space<semaphore_mem>>)
    %scan3A = arith.constant 0 : i32
    %scan3A_16 = arith.constant 0 : i32
    %scan3A_17 = arith.constant 160 : i32
    %scan3A_18 = arith.addi %scan3A_16, %scan3A_17 : i32
    %scan3A_19 = arith.constant 1 : i32
    %scan3A_20 = scf.for %scan3A_29 = %scan3A_16 to %scan3A_18 step %scan3A_19 iter_args(%scan3A_30 = %scan3A) -> (i32)  : i32 {
      %mul3A_31 = arith.constant 2 : i32
      %mul3A_32 = arith.muli %mul3A_31, %scan3A_29 : i32
      %add3A_33 = arith.addi %mul3A_2, %mul3A_32 : i32
      %add3A_34 = arith.constant 1 : i32
      %add3A_35 = arith.addi %add3A_33, %add3A_34 : i32
      %min3A_36 = arith.constant 9999 : i32
      %min3A_37 = arith.minsi %add3A_35, %min3A_36 : i32
      %mul3A_38 = arith.constant 10240 : i32
      %mul3A_39 = arith.muli %min3A_37, %mul3A_38 : i32
      %dma_start3A_40 = tpu.memref_slice %arg2[%mul3A_39] : memref<102400000xf32, #tpu.memory_space<hbm>> -> memref<10240xf32, #tpu.memory_space<hbm>>
      %dma_start3A_41 = tpu.memref_slice %arg2[%mul3A_39] : memref<102400000xf32, #tpu.memory_space<hbm>> -> memref<10240xf32, #tpu.memory_space<hbm>>
      tpu.enqueue_dma source(%dma_start3A_41 : memref<10240xf32, #tpu.memory_space<hbm>>) target(%arg7 : memref<10240xf32, #tpu.memory_space<vmem>>) target_semaphore(%arg14 : memref<!tpu.dma_semaphore, #tpu.memory_space<semaphore_mem>>)
      %min3A_42 = arith.constant 9999 : i32
      %min3A_43 = arith.minsi %add3A_33, %min3A_42 : i32
      %mul3A_44 = arith.constant 10240 : i32
      %mul3A_45 = arith.muli %min3A_43, %mul3A_44 : i32
      %dma_wait3A_46 = tpu.memref_slice %arg2[%mul3A_45] : memref<102400000xf32, #tpu.memory_space<hbm>> -> memref<10240xf32, #tpu.memory_space<hbm>>
      %dma_wait3A_47 = tpu.memref_slice %arg2[%mul3A_45] : memref<102400000xf32, #tpu.memory_space<hbm>> -> memref<10240xf32, #tpu.memory_space<hbm>>
      tpu.wait_dma2 semaphore(%arg13 : memref<!tpu.dma_semaphore, #tpu.memory_space<semaphore_mem>>) src(%dma_wait3A_47 : memref<10240xf32, #tpu.memory_space<hbm>>) dst(%arg6 : memref<10240xf32, #tpu.memory_space<vmem>>)
      %mul3A_48 = arith.constant 2 : i32
      %mul3A_49 = arith.muli %mul3A_48, %scan3A_29 : i32
      %broadcast_in_dim3A_50 = vector.broadcast %mul3A_49 : i32 to vector<16xi32>
      %gather3A = tpu.vector_load_idx %arg8[%broadcast_in_dim3A_50] : memref<320xf32, #tpu.memory_space<vmem>>[vector<16xi32>], vector<16xf32>,
      %broadcast_in_dim3A_51 = arith.constant 1073741824 : i32
      %broadcast_in_dim3A_52 = vector.broadcast %broadcast_in_dim3A_51 : i32 to vector<16xi32>
      %swap3A = arith.constant 0 : index
      %swap3A_53 = tpu.vector_load %arg9[%swap3A] {strides = array<i32>} : memref<384xi32, #tpu.memory_space<vmem>>, vector<16xi32>,
      tpu.vector_store %arg9[%swap3A], %broadcast_in_dim3A_52 {strides = array<i32>} : memref<384xi32, #tpu.memory_space<vmem>>, vector<16xi32>,
      %broadcast_in_dim3A_54 = arith.constant 1073741824 : i32
      %broadcast_in_dim3A_55 = vector.broadcast %broadcast_in_dim3A_54 : i32 to vector<16xi32>
      %swap3A_56 = arith.constant 16 : index
      %swap3A_57 = tpu.vector_load %arg9[%swap3A_56] {strides = array<i32>} : memref<384xi32, #tpu.memory_space<vmem>>, vector<16xi32>,
      tpu.vector_store %arg9[%swap3A_56], %broadcast_in_dim3A_55 {strides = array<i32>} : memref<384xi32, #tpu.memory_space<vmem>>, vector<16xi32>,
      %broadcast_in_dim3A_58 = arith.constant 1073741824 : i32
      %broadcast_in_dim3A_59 = vector.broadcast %broadcast_in_dim3A_58 : i32 to vector<16xi32>
      %swap3A_60 = arith.constant 32 : index
      %swap3A_61 = tpu.vector_load %arg9[%swap3A_60] {strides = array<i32>} : memref<384xi32, #tpu.memory_space<vmem>>, vector<16xi32>,
      tpu.vector_store %arg9[%swap3A_60], %broadcast_in_dim3A_59 {strides = array<i32>} : memref<384xi32, #tpu.memory_space<vmem>>, vector<16xi32>,
      %broadcast_in_dim3A_62 = arith.constant 1073741824 : i32
      %broadcast_in_dim3A_63 = vector.broadcast %broadcast_in_dim3A_62 : i32 to vector<16xi32>
      %swap3A_64 = arith.constant 48 : index
      %swap3A_65 = tpu.vector_load %arg9[%swap3A_64] {strides = array<i32>} : memref<384xi32, #tpu.memory_space<vmem>>, vector<16xi32>,
      tpu.vector_store %arg9[%swap3A_64], %broadcast_in_dim3A_63 {strides = array<i32>} : memref<384xi32, #tpu.memory_space<vmem>>, vector<16xi32>,
      %broadcast_in_dim3A_66 = arith.constant 1073741824 : i32
      %broadcast_in_dim3A_67 = vector.broadcast %broadcast_in_dim3A_66 : i32 to vector<16xi32>
      %swap3A_68 = arith.constant 64 : index
      %swap3A_69 = tpu.vector_load %arg9[%swap3A_68] {strides = array<i32>} : memref<384xi32, #tpu.memory_space<vmem>>, vector<16xi32>,
      tpu.vector_store %arg9[%swap3A_68], %broadcast_in_dim3A_67 {strides = array<i32>} : memref<384xi32, #tpu.memory_space<vmem>>, vector<16xi32>,
      %broadcast_in_dim3A_70 = arith.constant 1073741824 : i32
      %broadcast_in_dim3A_71 = vector.broadcast %broadcast_in_dim3A_70 : i32 to vector<16xi32>
      %swap3A_72 = arith.constant 80 : index
      %swap3A_73 = tpu.vector_load %arg9[%swap3A_72] {strides = array<i32>} : memref<384xi32, #tpu.memory_space<vmem>>, vector<16xi32>,
      tpu.vector_store %arg9[%swap3A_72], %broadcast_in_dim3A_71 {strides = array<i32>} : memref<384xi32, #tpu.memory_space<vmem>>, vector<16xi32>,
      %broadcast_in_dim3A_74 = arith.constant 1073741824 : i32
      %broadcast_in_dim3A_75 = vector.broadcast %broadcast_in_dim3A_74 : i32 to vector<16xi32>
      %swap3A_76 = arith.constant 96 : index
      %swap3A_77 = tpu.vector_load %arg9[%swap3A_76] {strides = array<i32>} : memref<384xi32, #tpu.memory_space<vmem>>, vector<16xi32>,
      tpu.vector_store %arg9[%swap3A_76], %broadcast_in_dim3A_75 {strides = array<i32>} : memref<384xi32, #tpu.memory_space<vmem>>, vector<16xi32>,
      %broadcast_in_dim3A_78 = arith.constant 1073741824 : i32
      %broadcast_in_dim3A_79 = vector.broadcast %broadcast_in_dim3A_78 : i32 to vector<16xi32>
      %swap3A_80 = arith.constant 112 : index
      %swap3A_81 = tpu.vector_load %arg9[%swap3A_80] {strides = array<i32>} : memref<384xi32, #tpu.memory_space<vmem>>, vector<16xi32>,
      tpu.vector_store %arg9[%swap3A_80], %broadcast_in_dim3A_79 {strides = array<i32>} : memref<384xi32, #tpu.memory_space<vmem>>, vector<16xi32>,
      %broadcast_in_dim3A_82 = arith.constant 1073741824 : i32
      %broadcast_in_dim3A_83 = vector.broadcast %broadcast_in_dim3A_82 : i32 to vector<16xi32>
      %swap3A_84 = arith.constant 128 : index
      %swap3A_85 = tpu.vector_load %arg9[%swap3A_84] {strides = array<i32>} : memref<384xi32, #tpu.memory_space<vmem>>, vector<16xi32>,
      tpu.vector_store %arg9[%swap3A_84], %broadcast_in_dim3A_83 {strides = array<i32>} : memref<384xi32, #tpu.memory_space<vmem>>, vector<16xi32>,
      %broadcast_in_dim3A_86 = arith.constant 1073741824 : i32
      %broadcast_in_dim3A_87 = vector.broadcast %broadcast_in_dim3A_86 : i32 to vector<16xi32>
      %swap3A_88 = arith.constant 144 : index
      %swap3A_89 = tpu.vector_load %arg9[%swap3A_88] {strides = array<i32>} : memref<384xi32, #tpu.memory_space<vmem>>, vector<16xi32>,
      tpu.vector_store %arg9[%swap3A_88], %broadcast_in_dim3A_87 {strides = array<i32>} : memref<384xi32, #tpu.memory_space<vmem>>, vector<16xi32>,
      %broadcast_in_dim3A_90 = arith.constant 1073741824 : i32
      %broadcast_in_dim3A_91 = vector.broadcast %broadcast_in_dim3A_90 : i32 to vector<16xi32>
      %swap3A_92 = arith.constant 160 : index
      %swap3A_93 = tpu.vector_load %arg9[%swap3A_92] {strides = array<i32>} : memref<384xi32, #tpu.memory_space<vmem>>, vector<16xi32>,
      tpu.vector_store %arg9[%swap3A_92], %broadcast_in_dim3A_91 {strides = array<i32>} : memref<384xi32, #tpu.memory_space<vmem>>, vector<16xi32>,
      %broadcast_in_dim3A_94 = arith.constant 1073741824 : i32
      %broadcast_in_dim3A_95 = vector.broadcast %broadcast_in_dim3A_94 : i32 to vector<16xi32>
      %swap3A_96 = arith.constant 176 : index
      %swap3A_97 = tpu.vector_load %arg9[%swap3A_96] {strides = array<i32>} : memref<384xi32, #tpu.memory_space<vmem>>, vector<16xi32>,
      tpu.vector_store %arg9[%swap3A_96], %broadcast_in_dim3A_95 {strides = array<i32>} : memref<384xi32, #tpu.memory_space<vmem>>, vector<16xi32>,
      %broadcast_in_dim3A_98 = arith.constant 1073741824 : i32
      %broadcast_in_dim3A_99 = vector.broadcast %broadcast_in_dim3A_98 : i32 to vector<16xi32>
      %swap3A_100 = arith.constant 192 : index
      %swap3A_101 = tpu.vector_load %arg9[%swap3A_100] {strides = array<i32>} : memref<384xi32, #tpu.memory_space<vmem>>, vector<16xi32>,
      tpu.vector_store %arg9[%swap3A_100], %broadcast_in_dim3A_99 {strides = array<i32>} : memref<384xi32, #tpu.memory_space<vmem>>, vector<16xi32>,
      %broadcast_in_dim3A_102 = arith.constant 1073741824 : i32
      %broadcast_in_dim3A_103 = vector.broadcast %broadcast_in_dim3A_102 : i32 to vector<16xi32>
      %swap3A_104 = arith.constant 208 : index
      %swap3A_105 = tpu.vector_load %arg9[%swap3A_104] {strides = array<i32>} : memref<384xi32, #tpu.memory_space<vmem>>, vector<16xi32>,
      tpu.vector_store %arg9[%swap3A_104], %broadcast_in_dim3A_103 {strides = array<i32>} : memref<384xi32, #tpu.memory_space<vmem>>, vector<16xi32>,
      %broadcast_in_dim3A_106 = arith.constant 1073741824 : i32
      %broadcast_in_dim3A_107 = vector.broadcast %broadcast_in_dim3A_106 : i32 to vector<16xi32>
      %swap3A_108 = arith.constant 224 : index
      %swap3A_109 = tpu.vector_load %arg9[%swap3A_108] {strides = array<i32>} : memref<384xi32, #tpu.memory_space<vmem>>, vector<16xi32>,
      tpu.vector_store %arg9[%swap3A_108], %broadcast_in_dim3A_107 {strides = array<i32>} : memref<384xi32, #tpu.memory_space<vmem>>, vector<16xi32>,
      %broadcast_in_dim3A_110 = arith.constant 1073741824 : i32
      %broadcast_in_dim3A_111 = vector.broadcast %broadcast_in_dim3A_110 : i32 to vector<16xi32>
      %swap3A_112 = arith.constant 240 : index
      %swap3A_113 = tpu.vector_load %arg9[%swap3A_112] {strides = array<i32>} : memref<384xi32, #tpu.memory_space<vmem>>, vector<16xi32>,
      tpu.vector_store %arg9[%swap3A_112], %broadcast_in_dim3A_111 {strides = array<i32>} : memref<384xi32, #tpu.memory_space<vmem>>, vector<16xi32>,
      %broadcast_in_dim3A_114 = arith.constant 1073741824 : i32
      %broadcast_in_dim3A_115 = vector.broadcast %broadcast_in_dim3A_114 : i32 to vector<16xi32>
      %swap3A_116 = arith.constant 256 : index
      %swap3A_117 = tpu.vector_load %arg9[%swap3A_116] {strides = array<i32>} : memref<384xi32, #tpu.memory_space<vmem>>, vector<16xi32>,
      tpu.vector_store %arg9[%swap3A_116], %broadcast_in_dim3A_115 {strides = array<i32>} : memref<384xi32, #tpu.memory_space<vmem>>, vector<16xi32>,
      %broadcast_in_dim3A_118 = arith.constant 1073741824 : i32
      %broadcast_in_dim3A_119 = vector.broadcast %broadcast_in_dim3A_118 : i32 to vector<16xi32>
      %swap3A_120 = arith.constant 272 : index
      %swap3A_121 = tpu.vector_load %arg9[%swap3A_120] {strides = array<i32>} : memref<384xi32, #tpu.memory_space<vmem>>, vector<16xi32>,
      tpu.vector_store %arg9[%swap3A_120], %broadcast_in_dim3A_119 {strides = array<i32>} : memref<384xi32, #tpu.memory_space<vmem>>, vector<16xi32>,
      %broadcast_in_dim3A_122 = arith.constant 1073741824 : i32
      %broadcast_in_dim3A_123 = vector.broadcast %broadcast_in_dim3A_122 : i32 to vector<16xi32>
      %swap3A_124 = arith.constant 288 : index
      %swap3A_125 = tpu.vector_load %arg9[%swap3A_124] {strides = array<i32>} : memref<384xi32, #tpu.memory_space<vmem>>, vector<16xi32>,
      tpu.vector_store %arg9[%swap3A_124], %broadcast_in_dim3A_123 {strides = array<i32>} : memref<384xi32, #tpu.memory_space<vmem>>, vector<16xi32>,
      %broadcast_in_dim3A_126 = arith.constant 1073741824 : i32
      %broadcast_in_dim3A_127 = vector.broadcast %broadcast_in_dim3A_126 : i32 to vector<16xi32>
      %swap3A_128 = arith.constant 304 : index
      %swap3A_129 = tpu.vector_load %arg9[%swap3A_128] {strides = array<i32>} : memref<384xi32, #tpu.memory_space<vmem>>, vector<16xi32>,
      tpu.vector_store %arg9[%swap3A_128], %broadcast_in_dim3A_127 {strides = array<i32>} : memref<384xi32, #tpu.memory_space<vmem>>, vector<16xi32>,
      %broadcast_in_dim3A_130 = arith.constant 1073741824 : i32
      %broadcast_in_dim3A_131 = vector.broadcast %broadcast_in_dim3A_130 : i32 to vector<16xi32>
      %swap3A_132 = arith.constant 320 : index
      %swap3A_133 = tpu.vector_load %arg9[%swap3A_132] {strides = array<i32>} : memref<384xi32, #tpu.memory_space<vmem>>, vector<16xi32>,
      tpu.vector_store %arg9[%swap3A_132], %broadcast_in_dim3A_131 {strides = array<i32>} : memref<384xi32, #tpu.memory_space<vmem>>, vector<16xi32>,
      %broadcast_in_dim3A_134 = arith.constant 1073741824 : i32
      %broadcast_in_dim3A_135 = vector.broadcast %broadcast_in_dim3A_134 : i32 to vector<16xi32>
      %swap3A_136 = arith.constant 336 : index
      %swap3A_137 = tpu.vector_load %arg9[%swap3A_136] {strides = array<i32>} : memref<384xi32, #tpu.memory_space<vmem>>, vector<16xi32>,
      tpu.vector_store %arg9[%swap3A_136], %broadcast_in_dim3A_135 {strides = array<i32>} : memref<384xi32, #tpu.memory_space<vmem>>, vector<16xi32>,
      %broadcast_in_dim3A_138 = arith.constant 1073741824 : i32
      %broadcast_in_dim3A_139 = vector.broadcast %broadcast_in_dim3A_138 : i32 to vector<16xi32>
      %swap3A_140 = arith.constant 352 : index
      %swap3A_141 = tpu.vector_load %arg9[%swap3A_140] {strides = array<i32>} : memref<384xi32, #tpu.memory_space<vmem>>, vector<16xi32>,
      tpu.vector_store %arg9[%swap3A_140], %broadcast_in_dim3A_139 {strides = array<i32>} : memref<384xi32, #tpu.memory_space<vmem>>, vector<16xi32>,
      %broadcast_in_dim3A_142 = arith.constant 1073741824 : i32
      %broadcast_in_dim3A_143 = vector.broadcast %broadcast_in_dim3A_142 : i32 to vector<16xi32>
      %swap3A_144 = arith.constant 368 : index
      %swap3A_145 = tpu.vector_load %arg9[%swap3A_144] {strides = array<i32>} : memref<384xi32, #tpu.memory_space<vmem>>, vector<16xi32>,
      tpu.vector_store %arg9[%swap3A_144], %broadcast_in_dim3A_143 {strides = array<i32>} : memref<384xi32, #tpu.memory_space<vmem>>, vector<16xi32>,
      %broadcast_in_dim3A_146 = arith.constant 0 : i32
      %broadcast_in_dim3A_147 = vector.broadcast %broadcast_in_dim3A_146 : i32 to vector<16xi32>
      %parallel_loop3A = arith.constant 0 : i32
      %parallel_loop3A_148 = arith.constant 640 : i32
      %parallel_loop3A_149 = arith.constant 1 : i32
      %parallel_loop3A_150:2 = scf.for %parallel_loop3A_426 = %parallel_loop3A to %parallel_loop3A_148 step %parallel_loop3A_149 iter_args(%parallel_loop3A_427 = %broadcast_in_dim3A_147, %parallel_loop3A_428 = %iota3A) -> (vector<16xi32>, vector<16xi32>)  : i32 {
        %parallel_loop3A_429 = arith.constant 16 : i32
        %parallel_loop3A_430 = arith.muli %parallel_loop3A_426, %parallel_loop3A_429 : i32
        %parallel_loop3A_431 = arith.index_cast %parallel_loop3A_430 : i32 to index
        %parallel_loop3A_432 = tpu.vector_load %arg6[%parallel_loop3A_431] {strides = array<i32>} : memref<10240xf32, #tpu.memory_space<vmem>>, vector<16xf32>,
        %parallel_loop3A_433 = arith.cmpf oge, %parallel_loop3A_432, %gather3A : vector<16xf32>
        %parallel_loop3A_434 = arith.addi %mul3A_8, %parallel_loop3A_427 : vector<16xi32>
        %parallel_loop3A_435 = arith.minsi %parallel_loop3A_434, %add3A_11 : vector<16xi32>
        tpu.vector_store_idx %arg9[%parallel_loop3A_435], %parallel_loop3A_428 masked %parallel_loop3A_433 : memref<384xi32, #tpu.memory_space<vmem>>[vector<16xi32>], vector<16xi32>, vector<16xi1>
        %parallel_loop3A_436 = arith.extui %parallel_loop3A_433 : vector<16xi1> to vector<16xi32>
        %parallel_loop3A_437 = arith.addi %parallel_loop3A_427, %parallel_loop3A_436 : vector<16xi32>
        %parallel_loop3A_438 = arith.constant 16 : i32
        %parallel_loop3A_439 = vector.broadcast %parallel_loop3A_438 : i32 to vector<16xi32>
        %parallel_loop3A_440 = arith.addi %parallel_loop3A_428, %parallel_loop3A_439 : vector<16xi32>
        scf.yield %parallel_loop3A_437, %parallel_loop3A_440 : vector<16xi32>, vector<16xi32>
      } {sc.loop_unroll_factor = 8 : i64, sc.parallel_access}
      %broadcast_in_dim3A_151 = arith.constant 1073741824 : i32
      %broadcast_in_dim3A_152 = vector.broadcast %broadcast_in_dim3A_151 : i32 to vector<16xi32>
      %swap3A_153 = arith.constant 0 : index
      %swap3A_154 = tpu.vector_load %arg10[%swap3A_153] {strides = array<i32>} : memref<64xi32, #tpu.memory_space<vmem>>, vector<16xi32>,
      tpu.vector_store %arg10[%swap3A_153], %broadcast_in_dim3A_152 {strides = array<i32>} : memref<64xi32, #tpu.memory_space<vmem>>, vector<16xi32>,
      %broadcast_in_dim3A_155 = arith.constant 1073741824 : i32
      %broadcast_in_dim3A_156 = vector.broadcast %broadcast_in_dim3A_155 : i32 to vector<16xi32>
      %swap3A_157 = arith.constant 16 : index
      %swap3A_158 = tpu.vector_load %arg10[%swap3A_157] {strides = array<i32>} : memref<64xi32, #tpu.memory_space<vmem>>, vector<16xi32>,
      tpu.vector_store %arg10[%swap3A_157], %broadcast_in_dim3A_156 {strides = array<i32>} : memref<64xi32, #tpu.memory_space<vmem>>, vector<16xi32>,
      %broadcast_in_dim3A_159 = arith.constant 1073741824 : i32
      %broadcast_in_dim3A_160 = vector.broadcast %broadcast_in_dim3A_159 : i32 to vector<16xi32>
      %swap3A_161 = arith.constant 32 : index
      %swap3A_162 = tpu.vector_load %arg10[%swap3A_161] {strides = array<i32>} : memref<64xi32, #tpu.memory_space<vmem>>, vector<16xi32>,
      tpu.vector_store %arg10[%swap3A_161], %broadcast_in_dim3A_160 {strides = array<i32>} : memref<64xi32, #tpu.memory_space<vmem>>, vector<16xi32>,
      %broadcast_in_dim3A_163 = arith.constant 1073741824 : i32
      %broadcast_in_dim3A_164 = vector.broadcast %broadcast_in_dim3A_163 : i32 to vector<16xi32>
      %swap3A_165 = arith.constant 48 : index
      %swap3A_166 = tpu.vector_load %arg10[%swap3A_165] {strides = array<i32>} : memref<64xi32, #tpu.memory_space<vmem>>, vector<16xi32>,
      tpu.vector_store %arg10[%swap3A_165], %broadcast_in_dim3A_164 {strides = array<i32>} : memref<64xi32, #tpu.memory_space<vmem>>, vector<16xi32>,
      %broadcast_in_dim3A_167 = arith.constant 0 : i32
      %broadcast_in_dim3A_168 = vector.broadcast %broadcast_in_dim3A_167 : i32 to vector<16xi32>
      %parallel_loop3A_169 = arith.constant 0 : i32
      %parallel_loop3A_170 = arith.constant 24 : i32
      %parallel_loop3A_171 = arith.constant 1 : i32
      %parallel_loop3A_172 = scf.for %parallel_loop3A_426 = %parallel_loop3A_169 to %parallel_loop3A_170 step %parallel_loop3A_171 iter_args(%parallel_loop3A_427 = %broadcast_in_dim3A_168) -> (vector<16xi32>)  : i32 {
        %parallel_loop3A_428 = arith.constant 16 : i32
        %parallel_loop3A_429 = arith.muli %parallel_loop3A_426, %parallel_loop3A_428 : i32
        %parallel_loop3A_430 = arith.index_cast %parallel_loop3A_429 : i32 to index
        %parallel_loop3A_431 = tpu.vector_load %arg9[%parallel_loop3A_430] {strides = array<i32>} : memref<384xi32, #tpu.memory_space<vmem>>, vector<16xi32>,
        %parallel_loop3A_432 = arith.constant 1073741824 : i32
        %parallel_loop3A_433 = vector.broadcast %parallel_loop3A_432 : i32 to vector<16xi32>
        %parallel_loop3A_434 = arith.cmpi slt, %parallel_loop3A_431, %parallel_loop3A_433 : vector<16xi32>
        %parallel_loop3A_435 = arith.extui %parallel_loop3A_434 : vector<16xi1> to vector<16xi32>
        %parallel_loop3A_436 = arith.constant true
        %parallel_loop3A_437 = vector.broadcast %parallel_loop3A_436 : i1 to vector<16xi1>
        %parallel_loop3A_438 = tpu.scan <sum>, %parallel_loop3A_435 masked %parallel_loop3A_437 : vector<16xi32>, vector<16xi1> -> vector<16xi32>
        %parallel_loop3A_439 = tpu.all_reduce %parallel_loop3A_434 {dim = 0 : i64, kind = #tpu.reduction_kind<sum>} : vector<16xi1> -> vector<16xi32>
        %parallel_loop3A_440 = arith.addi %parallel_loop3A_427, %parallel_loop3A_438 : vector<16xi32>
        %parallel_loop3A_441 = arith.constant 1 : i32
        %parallel_loop3A_442 = vector.broadcast %parallel_loop3A_441 : i32 to vector<16xi32>
        %parallel_loop3A_443 = arith.subi %parallel_loop3A_440, %parallel_loop3A_442 : vector<16xi32>
        %parallel_loop3A_444 = arith.constant 63 : i32
        %parallel_loop3A_445 = vector.broadcast %parallel_loop3A_444 : i32 to vector<16xi32>
        %parallel_loop3A_446 = arith.minsi %parallel_loop3A_443, %parallel_loop3A_445 : vector<16xi32>
        tpu.vector_store_idx %arg10[%parallel_loop3A_446], %parallel_loop3A_431 masked %parallel_loop3A_434 : memref<64xi32, #tpu.memory_space<vmem>>[vector<16xi32>], vector<16xi32>, vector<16xi1>
        %parallel_loop3A_447 = arith.addi %parallel_loop3A_427, %parallel_loop3A_439 : vector<16xi32>
        scf.yield %parallel_loop3A_447 : vector<16xi32>
      } {sc.loop_unroll_factor = 4 : i64, sc.parallel_access}
      %get3A = arith.constant 0 : index
      %get3A_173 = tpu.vector_load %arg10[%get3A] {strides = array<i32>} : memref<64xi32, #tpu.memory_space<vmem>>, vector<16xi32>,
      %min3A_174 = arith.constant 10239 : i32
      %min3A_175 = vector.broadcast %min3A_174 : i32 to vector<16xi32>
      %min3A_176 = arith.minsi %get3A_173, %min3A_175 : vector<16xi32>
      %gather3A_177 = tpu.vector_load_idx %arg6[%min3A_176] : memref<10240xf32, #tpu.memory_space<vmem>>[vector<16xi32>], vector<16xf32>,
      %ge3A = arith.constant 1073741824 : i32
      %ge3A_178 = vector.broadcast %ge3A : i32 to vector<16xi32>
      %ge3A_179 = arith.cmpi sge, %get3A_173, %ge3A_178 : vector<16xi32>
      %jit3A = arith.constant -3.000000e+00 : f32
      %broadcast_in_dim3A_180 = vector.broadcast %jit3A : f32 to vector<16xf32>
      %select_n3A = arith.select %ge3A_179, %broadcast_in_dim3A_180, %gather3A_177 : vector<16xi1>, vector<16xf32>
      %get3A_181 = arith.constant 16 : index
      %get3A_182 = tpu.vector_load %arg10[%get3A_181] {strides = array<i32>} : memref<64xi32, #tpu.memory_space<vmem>>, vector<16xi32>,
      %min3A_183 = arith.constant 10239 : i32
      %min3A_184 = vector.broadcast %min3A_183 : i32 to vector<16xi32>
      %min3A_185 = arith.minsi %get3A_182, %min3A_184 : vector<16xi32>
      %gather3A_186 = tpu.vector_load_idx %arg6[%min3A_185] : memref<10240xf32, #tpu.memory_space<vmem>>[vector<16xi32>], vector<16xf32>,
      %ge3A_187 = arith.constant 1073741824 : i32
      %ge3A_188 = vector.broadcast %ge3A_187 : i32 to vector<16xi32>
      %ge3A_189 = arith.cmpi sge, %get3A_182, %ge3A_188 : vector<16xi32>
      %jit3A_190 = arith.constant -3.000000e+00 : f32
      %broadcast_in_dim3A_191 = vector.broadcast %jit3A_190 : f32 to vector<16xf32>
      %select_n3A_192 = arith.select %ge3A_189, %broadcast_in_dim3A_191, %gather3A_186 : vector<16xi1>, vector<16xf32>
      %get3A_193 = arith.constant 32 : index
      %get3A_194 = tpu.vector_load %arg10[%get3A_193] {strides = array<i32>} : memref<64xi32, #tpu.memory_space<vmem>>, vector<16xi32>,
      %min3A_195 = arith.constant 10239 : i32
      %min3A_196 = vector.broadcast %min3A_195 : i32 to vector<16xi32>
      %min3A_197 = arith.minsi %get3A_194, %min3A_196 : vector<16xi32>
      %gather3A_198 = tpu.vector_load_idx %arg6[%min3A_197] : memref<10240xf32, #tpu.memory_space<vmem>>[vector<16xi32>], vector<16xf32>,
      %ge3A_199 = arith.constant 1073741824 : i32
      %ge3A_200 = vector.broadcast %ge3A_199 : i32 to vector<16xi32>
      %ge3A_201 = arith.cmpi sge, %get3A_194, %ge3A_200 : vector<16xi32>
      %jit3A_202 = arith.constant -3.000000e+00 : f32
      %broadcast_in_dim3A_203 = vector.broadcast %jit3A_202 : f32 to vector<16xf32>
      %select_n3A_204 = arith.select %ge3A_201, %broadcast_in_dim3A_203, %gather3A_198 : vector<16xi1>, vector<16xf32>
      %get3A_205 = arith.constant 48 : index
      %get3A_206 = tpu.vector_load %arg10[%get3A_205] {strides = array<i32>} : memref<64xi32, #tpu.memory_space<vmem>>, vector<16xi32>,
      %min3A_207 = arith.constant 10239 : i32
      %min3A_208 = vector.broadcast %min3A_207 : i32 to vector<16xi32>
      %min3A_209 = arith.minsi %get3A_206, %min3A_208 : vector<16xi32>
      %gather3A_210 = tpu.vector_load_idx %arg6[%min3A_209] : memref<10240xf32, #tpu.memory_space<vmem>>[vector<16xi32>], vector<16xf32>,
      %ge3A_211 = arith.constant 1073741824 : i32
      %ge3A_212 = vector.broadcast %ge3A_211 : i32 to vector<16xi32>
      %ge3A_213 = arith.cmpi sge, %get3A_206, %ge3A_212 : vector<16xi32>
      %jit3A_214 = arith.constant -3.000000e+00 : f32
      %broadcast_in_dim3A_215 = vector.broadcast %jit3A_214 : f32 to vector<16xf32>
      %select_n3A_216 = arith.select %ge3A_213, %broadcast_in_dim3A_215, %gather3A_210 : vector<16xi1>, vector<16xf32>
      %add3A_217 = arith.constant 2 : i32
      %add3A_218 = arith.addi %add3A_33, %add3A_217 : i32
      %min3A_219 = arith.constant 9999 : i32
      %min3A_220 = arith.minsi %add3A_218, %min3A_219 : i32
      %mul3A_221 = arith.constant 10240 : i32
      %mul3A_222 = arith.muli %min3A_220, %mul3A_221 : i32
      %dma_start3A_223 = tpu.memref_slice %arg2[%mul3A_222] : memref<102400000xf32, #tpu.memory_space<hbm>> -> memref<10240xf32, #tpu.memory_space<hbm>>
      %dma_start3A_224 = tpu.memref_slice %arg2[%mul3A_222] : memref<102400000xf32, #tpu.memory_space<hbm>> -> memref<10240xf32, #tpu.memory_space<hbm>>
      tpu.enqueue_dma source(%dma_start3A_224 : memref<10240xf32, #tpu.memory_space<hbm>>) target(%arg6 : memref<10240xf32, #tpu.memory_space<vmem>>) target_semaphore(%arg13 : memref<!tpu.dma_semaphore, #tpu.memory_space<semaphore_mem>>)
      %add3A_225 = arith.constant 1 : i32
      %add3A_226 = arith.addi %add3A_33, %add3A_225 : i32
      %min3A_227 = arith.constant 9999 : i32
      %min3A_228 = arith.minsi %add3A_226, %min3A_227 : i32
      %mul3A_229 = arith.constant 10240 : i32
      %mul3A_230 = arith.muli %min3A_228, %mul3A_229 : i32
      %dma_wait3A_231 = tpu.memref_slice %arg2[%mul3A_230] : memref<102400000xf32, #tpu.memory_space<hbm>> -> memref<10240xf32, #tpu.memory_space<hbm>>
      %dma_wait3A_232 = tpu.memref_slice %arg2[%mul3A_230] : memref<102400000xf32, #tpu.memory_space<hbm>> -> memref<10240xf32, #tpu.memory_space<hbm>>
      tpu.wait_dma2 semaphore(%arg14 : memref<!tpu.dma_semaphore, #tpu.memory_space<semaphore_mem>>) src(%dma_wait3A_232 : memref<10240xf32, #tpu.memory_space<hbm>>) dst(%arg7 : memref<10240xf32, #tpu.memory_space<vmem>>)
      %mul3A_233 = arith.constant 2 : i32
      %mul3A_234 = arith.muli %mul3A_233, %scan3A_29 : i32
      %add3A_235 = arith.constant 1 : i32
      %add3A_236 = arith.addi %mul3A_234, %add3A_235 : i32
      %broadcast_in_dim3A_237 = vector.broadcast %add3A_236 : i32 to vector<16xi32>
      %gather3A_238 = tpu.vector_load_idx %arg8[%broadcast_in_dim3A_237] : memref<320xf32, #tpu.memory_space<vmem>>[vector<16xi32>], vector<16xf32>,
      %broadcast_in_dim3A_239 = arith.constant 1073741824 : i32
      %broadcast_in_dim3A_240 = vector.broadcast %broadcast_in_dim3A_239 : i32 to vector<16xi32>
      %swap3A_241 = arith.constant 0 : index
      %swap3A_242 = tpu.vector_load %arg9[%swap3A_241] {strides = array<i32>} : memref<384xi32, #tpu.memory_space<vmem>>, vector<16xi32>,
      tpu.vector_store %arg9[%swap3A_241], %broadcast_in_dim3A_240 {strides = array<i32>} : memref<384xi32, #tpu.memory_space<vmem>>, vector<16xi32>,
      %broadcast_in_dim3A_243 = arith.constant 1073741824 : i32
      %broadcast_in_dim3A_244 = vector.broadcast %broadcast_in_dim3A_243 : i32 to vector<16xi32>
      %swap3A_245 = arith.constant 16 : index
      %swap3A_246 = tpu.vector_load %arg9[%swap3A_245] {strides = array<i32>} : memref<384xi32, #tpu.memory_space<vmem>>, vector<16xi32>,
      tpu.vector_store %arg9[%swap3A_245], %broadcast_in_dim3A_244 {strides = array<i32>} : memref<384xi32, #tpu.memory_space<vmem>>, vector<16xi32>,
      %broadcast_in_dim3A_247 = arith.constant 1073741824 : i32
      %broadcast_in_dim3A_248 = vector.broadcast %broadcast_in_dim3A_247 : i32 to vector<16xi32>
      %swap3A_249 = arith.constant 32 : index
      %swap3A_250 = tpu.vector_load %arg9[%swap3A_249] {strides = array<i32>} : memref<384xi32, #tpu.memory_space<vmem>>, vector<16xi32>,
      tpu.vector_store %arg9[%swap3A_249], %broadcast_in_dim3A_248 {strides = array<i32>} : memref<384xi32, #tpu.memory_space<vmem>>, vector<16xi32>,
      %broadcast_in_dim3A_251 = arith.constant 1073741824 : i32
      %broadcast_in_dim3A_252 = vector.broadcast %broadcast_in_dim3A_251 : i32 to vector<16xi32>
      %swap3A_253 = arith.constant 48 : index
      %swap3A_254 = tpu.vector_load %arg9[%swap3A_253] {strides = array<i32>} : memref<384xi32, #tpu.memory_space<vmem>>, vector<16xi32>,
      tpu.vector_store %arg9[%swap3A_253], %broadcast_in_dim3A_252 {strides = array<i32>} : memref<384xi32, #tpu.memory_space<vmem>>, vector<16xi32>,
      %broadcast_in_dim3A_255 = arith.constant 1073741824 : i32
      %broadcast_in_dim3A_256 = vector.broadcast %broadcast_in_dim3A_255 : i32 to vector<16xi32>
      %swap3A_257 = arith.constant 64 : index
      %swap3A_258 = tpu.vector_load %arg9[%swap3A_257] {strides = array<i32>} : memref<384xi32, #tpu.memory_space<vmem>>, vector<16xi32>,
      tpu.vector_store %arg9[%swap3A_257], %broadcast_in_dim3A_256 {strides = array<i32>} : memref<384xi32, #tpu.memory_space<vmem>>, vector<16xi32>,
      %broadcast_in_dim3A_259 = arith.constant 1073741824 : i32
      %broadcast_in_dim3A_260 = vector.broadcast %broadcast_in_dim3A_259 : i32 to vector<16xi32>
      %swap3A_261 = arith.constant 80 : index
      %swap3A_262 = tpu.vector_load %arg9[%swap3A_261] {strides = array<i32>} : memref<384xi32, #tpu.memory_space<vmem>>, vector<16xi32>,
      tpu.vector_store %arg9[%swap3A_261], %broadcast_in_dim3A_260 {strides = array<i32>} : memref<384xi32, #tpu.memory_space<vmem>>, vector<16xi32>,
      %broadcast_in_dim3A_263 = arith.constant 1073741824 : i32
      %broadcast_in_dim3A_264 = vector.broadcast %broadcast_in_dim3A_263 : i32 to vector<16xi32>
      %swap3A_265 = arith.constant 96 : index
      %swap3A_266 = tpu.vector_load %arg9[%swap3A_265] {strides = array<i32>} : memref<384xi32, #tpu.memory_space<vmem>>, vector<16xi32>,
      tpu.vector_store %arg9[%swap3A_265], %broadcast_in_dim3A_264 {strides = array<i32>} : memref<384xi32, #tpu.memory_space<vmem>>, vector<16xi32>,
      %broadcast_in_dim3A_267 = arith.constant 1073741824 : i32
      %broadcast_in_dim3A_268 = vector.broadcast %broadcast_in_dim3A_267 : i32 to vector<16xi32>
      %swap3A_269 = arith.constant 112 : index
      %swap3A_270 = tpu.vector_load %arg9[%swap3A_269] {strides = array<i32>} : memref<384xi32, #tpu.memory_space<vmem>>, vector<16xi32>,
      tpu.vector_store %arg9[%swap3A_269], %broadcast_in_dim3A_268 {strides = array<i32>} : memref<384xi32, #tpu.memory_space<vmem>>, vector<16xi32>,
      %broadcast_in_dim3A_271 = arith.constant 1073741824 : i32
      %broadcast_in_dim3A_272 = vector.broadcast %broadcast_in_dim3A_271 : i32 to vector<16xi32>
      %swap3A_273 = arith.constant 128 : index
      %swap3A_274 = tpu.vector_load %arg9[%swap3A_273] {strides = array<i32>} : memref<384xi32, #tpu.memory_space<vmem>>, vector<16xi32>,
      tpu.vector_store %arg9[%swap3A_273], %broadcast_in_dim3A_272 {strides = array<i32>} : memref<384xi32, #tpu.memory_space<vmem>>, vector<16xi32>,
      %broadcast_in_dim3A_275 = arith.constant 1073741824 : i32
      %broadcast_in_dim3A_276 = vector.broadcast %broadcast_in_dim3A_275 : i32 to vector<16xi32>
      %swap3A_277 = arith.constant 144 : index
      %swap3A_278 = tpu.vector_load %arg9[%swap3A_277] {strides = array<i32>} : memref<384xi32, #tpu.memory_space<vmem>>, vector<16xi32>,
      tpu.vector_store %arg9[%swap3A_277], %broadcast_in_dim3A_276 {strides = array<i32>} : memref<384xi32, #tpu.memory_space<vmem>>, vector<16xi32>,
      %broadcast_in_dim3A_279 = arith.constant 1073741824 : i32
      %broadcast_in_dim3A_280 = vector.broadcast %broadcast_in_dim3A_279 : i32 to vector<16xi32>
      %swap3A_281 = arith.constant 160 : index
      %swap3A_282 = tpu.vector_load %arg9[%swap3A_281] {strides = array<i32>} : memref<384xi32, #tpu.memory_space<vmem>>, vector<16xi32>,
      tpu.vector_store %arg9[%swap3A_281], %broadcast_in_dim3A_280 {strides = array<i32>} : memref<384xi32, #tpu.memory_space<vmem>>, vector<16xi32>,
      %broadcast_in_dim3A_283 = arith.constant 1073741824 : i32
      %broadcast_in_dim3A_284 = vector.broadcast %broadcast_in_dim3A_283 : i32 to vector<16xi32>
      %swap3A_285 = arith.constant 176 : index
      %swap3A_286 = tpu.vector_load %arg9[%swap3A_285] {strides = array<i32>} : memref<384xi32, #tpu.memory_space<vmem>>, vector<16xi32>,
      tpu.vector_store %arg9[%swap3A_285], %broadcast_in_dim3A_284 {strides = array<i32>} : memref<384xi32, #tpu.memory_space<vmem>>, vector<16xi32>,
      %broadcast_in_dim3A_287 = arith.constant 1073741824 : i32
      %broadcast_in_dim3A_288 = vector.broadcast %broadcast_in_dim3A_287 : i32 to vector<16xi32>
      %swap3A_289 = arith.constant 192 : index
      %swap3A_290 = tpu.vector_load %arg9[%swap3A_289] {strides = array<i32>} : memref<384xi32, #tpu.memory_space<vmem>>, vector<16xi32>,
      tpu.vector_store %arg9[%swap3A_289], %broadcast_in_dim3A_288 {strides = array<i32>} : memref<384xi32, #tpu.memory_space<vmem>>, vector<16xi32>,
      %broadcast_in_dim3A_291 = arith.constant 1073741824 : i32
      %broadcast_in_dim3A_292 = vector.broadcast %broadcast_in_dim3A_291 : i32 to vector<16xi32>
      %swap3A_293 = arith.constant 208 : index
      %swap3A_294 = tpu.vector_load %arg9[%swap3A_293] {strides = array<i32>} : memref<384xi32, #tpu.memory_space<vmem>>, vector<16xi32>,
      tpu.vector_store %arg9[%swap3A_293], %broadcast_in_dim3A_292 {strides = array<i32>} : memref<384xi32, #tpu.memory_space<vmem>>, vector<16xi32>,
      %broadcast_in_dim3A_295 = arith.constant 1073741824 : i32
      %broadcast_in_dim3A_296 = vector.broadcast %broadcast_in_dim3A_295 : i32 to vector<16xi32>
      %swap3A_297 = arith.constant 224 : index
      %swap3A_298 = tpu.vector_load %arg9[%swap3A_297] {strides = array<i32>} : memref<384xi32, #tpu.memory_space<vmem>>, vector<16xi32>,
      tpu.vector_store %arg9[%swap3A_297], %broadcast_in_dim3A_296 {strides = array<i32>} : memref<384xi32, #tpu.memory_space<vmem>>, vector<16xi32>,
      %broadcast_in_dim3A_299 = arith.constant 1073741824 : i32
      %broadcast_in_dim3A_300 = vector.broadcast %broadcast_in_dim3A_299 : i32 to vector<16xi32>
      %swap3A_301 = arith.constant 240 : index
      %swap3A_302 = tpu.vector_load %arg9[%swap3A_301] {strides = array<i32>} : memref<384xi32, #tpu.memory_space<vmem>>, vector<16xi32>,
      tpu.vector_store %arg9[%swap3A_301], %broadcast_in_dim3A_300 {strides = array<i32>} : memref<384xi32, #tpu.memory_space<vmem>>, vector<16xi32>,
      %broadcast_in_dim3A_303 = arith.constant 1073741824 : i32
      %broadcast_in_dim3A_304 = vector.broadcast %broadcast_in_dim3A_303 : i32 to vector<16xi32>
      %swap3A_305 = arith.constant 256 : index
      %swap3A_306 = tpu.vector_load %arg9[%swap3A_305] {strides = array<i32>} : memref<384xi32, #tpu.memory_space<vmem>>, vector<16xi32>,
      tpu.vector_store %arg9[%swap3A_305], %broadcast_in_dim3A_304 {strides = array<i32>} : memref<384xi32, #tpu.memory_space<vmem>>, vector<16xi32>,
      %broadcast_in_dim3A_307 = arith.constant 1073741824 : i32
      %broadcast_in_dim3A_308 = vector.broadcast %broadcast_in_dim3A_307 : i32 to vector<16xi32>
      %swap3A_309 = arith.constant 272 : index
      %swap3A_310 = tpu.vector_load %arg9[%swap3A_309] {strides = array<i32>} : memref<384xi32, #tpu.memory_space<vmem>>, vector<16xi32>,
      tpu.vector_store %arg9[%swap3A_309], %broadcast_in_dim3A_308 {strides = array<i32>} : memref<384xi32, #tpu.memory_space<vmem>>, vector<16xi32>,
      %broadcast_in_dim3A_311 = arith.constant 1073741824 : i32
      %broadcast_in_dim3A_312 = vector.broadcast %broadcast_in_dim3A_311 : i32 to vector<16xi32>
      %swap3A_313 = arith.constant 288 : index
      %swap3A_314 = tpu.vector_load %arg9[%swap3A_313] {strides = array<i32>} : memref<384xi32, #tpu.memory_space<vmem>>, vector<16xi32>,
      tpu.vector_store %arg9[%swap3A_313], %broadcast_in_dim3A_312 {strides = array<i32>} : memref<384xi32, #tpu.memory_space<vmem>>, vector<16xi32>,
      %broadcast_in_dim3A_315 = arith.constant 1073741824 : i32
      %broadcast_in_dim3A_316 = vector.broadcast %broadcast_in_dim3A_315 : i32 to vector<16xi32>
      %swap3A_317 = arith.constant 304 : index
      %swap3A_318 = tpu.vector_load %arg9[%swap3A_317] {strides = array<i32>} : memref<384xi32, #tpu.memory_space<vmem>>, vector<16xi32>,
      tpu.vector_store %arg9[%swap3A_317], %broadcast_in_dim3A_316 {strides = array<i32>} : memref<384xi32, #tpu.memory_space<vmem>>, vector<16xi32>,
      %broadcast_in_dim3A_319 = arith.constant 1073741824 : i32
      %broadcast_in_dim3A_320 = vector.broadcast %broadcast_in_dim3A_319 : i32 to vector<16xi32>
      %swap3A_321 = arith.constant 320 : index
      %swap3A_322 = tpu.vector_load %arg9[%swap3A_321] {strides = array<i32>} : memref<384xi32, #tpu.memory_space<vmem>>, vector<16xi32>,
      tpu.vector_store %arg9[%swap3A_321], %broadcast_in_dim3A_320 {strides = array<i32>} : memref<384xi32, #tpu.memory_space<vmem>>, vector<16xi32>,
      %broadcast_in_dim3A_323 = arith.constant 1073741824 : i32
      %broadcast_in_dim3A_324 = vector.broadcast %broadcast_in_dim3A_323 : i32 to vector<16xi32>
      %swap3A_325 = arith.constant 336 : index
      %swap3A_326 = tpu.vector_load %arg9[%swap3A_325] {strides = array<i32>} : memref<384xi32, #tpu.memory_space<vmem>>, vector<16xi32>,
      tpu.vector_store %arg9[%swap3A_325], %broadcast_in_dim3A_324 {strides = array<i32>} : memref<384xi32, #tpu.memory_space<vmem>>, vector<16xi32>,
      %broadcast_in_dim3A_327 = arith.constant 1073741824 : i32
      %broadcast_in_dim3A_328 = vector.broadcast %broadcast_in_dim3A_327 : i32 to vector<16xi32>
      %swap3A_329 = arith.constant 352 : index
      %swap3A_330 = tpu.vector_load %arg9[%swap3A_329] {strides = array<i32>} : memref<384xi32, #tpu.memory_space<vmem>>, vector<16xi32>,
      tpu.vector_store %arg9[%swap3A_329], %broadcast_in_dim3A_328 {strides = array<i32>} : memref<384xi32, #tpu.memory_space<vmem>>, vector<16xi32>,
      %broadcast_in_dim3A_331 = arith.constant 1073741824 : i32
      %broadcast_in_dim3A_332 = vector.broadcast %broadcast_in_dim3A_331 : i32 to vector<16xi32>
      %swap3A_333 = arith.constant 368 : index
      %swap3A_334 = tpu.vector_load %arg9[%swap3A_333] {strides = array<i32>} : memref<384xi32, #tpu.memory_space<vmem>>, vector<16xi32>,
      tpu.vector_store %arg9[%swap3A_333], %broadcast_in_dim3A_332 {strides = array<i32>} : memref<384xi32, #tpu.memory_space<vmem>>, vector<16xi32>,
      %broadcast_in_dim3A_335 = arith.constant 0 : i32
      %broadcast_in_dim3A_336 = vector.broadcast %broadcast_in_dim3A_335 : i32 to vector<16xi32>
      %parallel_loop3A_337 = arith.constant 0 : i32
      %parallel_loop3A_338 = arith.constant 640 : i32
      %parallel_loop3A_339 = arith.constant 1 : i32
      %parallel_loop3A_340:2 = scf.for %parallel_loop3A_426 = %parallel_loop3A_337 to %parallel_loop3A_338 step %parallel_loop3A_339 iter_args(%parallel_loop3A_427 = %broadcast_in_dim3A_336, %parallel_loop3A_428 = %iota3A) -> (vector<16xi32>, vector<16xi32>)  : i32 {
        %parallel_loop3A_429 = arith.constant 16 : i32
        %parallel_loop3A_430 = arith.muli %parallel_loop3A_426, %parallel_loop3A_429 : i32
        %parallel_loop3A_431 = arith.index_cast %parallel_loop3A_430 : i32 to index
        %parallel_loop3A_432 = tpu.vector_load %arg7[%parallel_loop3A_431] {strides = array<i32>} : memref<10240xf32, #tpu.memory_space<vmem>>, vector<16xf32>,
        %parallel_loop3A_433 = arith.cmpf oge, %parallel_loop3A_432, %gather3A_238 : vector<16xf32>
        %parallel_loop3A_434 = arith.addi %mul3A_8, %parallel_loop3A_427 : vector<16xi32>
        %parallel_loop3A_435 = arith.minsi %parallel_loop3A_434, %add3A_11 : vector<16xi32>
        tpu.vector_store_idx %arg9[%parallel_loop3A_435], %parallel_loop3A_428 masked %parallel_loop3A_433 : memref<384xi32, #tpu.memory_space<vmem>>[vector<16xi32>], vector<16xi32>, vector<16xi1>
        %parallel_loop3A_436 = arith.extui %parallel_loop3A_433 : vector<16xi1> to vector<16xi32>
        %parallel_loop3A_437 = arith.addi %parallel_loop3A_427, %parallel_loop3A_436 : vector<16xi32>
        %parallel_loop3A_438 = arith.constant 16 : i32
        %parallel_loop3A_439 = vector.broadcast %parallel_loop3A_438 : i32 to vector<16xi32>
        %parallel_loop3A_440 = arith.addi %parallel_loop3A_428, %parallel_loop3A_439 : vector<16xi32>
        scf.yield %parallel_loop3A_437, %parallel_loop3A_440 : vector<16xi32>, vector<16xi32>
      } {sc.loop_unroll_factor = 8 : i64, sc.parallel_access}
      %broadcast_in_dim3A_341 = arith.constant 1073741824 : i32
      %broadcast_in_dim3A_342 = vector.broadcast %broadcast_in_dim3A_341 : i32 to vector<16xi32>
      %swap3A_343 = arith.constant 0 : index
      %swap3A_344 = tpu.vector_load %arg10[%swap3A_343] {strides = array<i32>} : memref<64xi32, #tpu.memory_space<vmem>>, vector<16xi32>,
      tpu.vector_store %arg10[%swap3A_343], %broadcast_in_dim3A_342 {strides = array<i32>} : memref<64xi32, #tpu.memory_space<vmem>>, vector<16xi32>,
      %broadcast_in_dim3A_345 = arith.constant 1073741824 : i32
      %broadcast_in_dim3A_346 = vector.broadcast %broadcast_in_dim3A_345 : i32 to vector<16xi32>
      %swap3A_347 = arith.constant 16 : index
      %swap3A_348 = tpu.vector_load %arg10[%swap3A_347] {strides = array<i32>} : memref<64xi32, #tpu.memory_space<vmem>>, vector<16xi32>,
      tpu.vector_store %arg10[%swap3A_347], %broadcast_in_dim3A_346 {strides = array<i32>} : memref<64xi32, #tpu.memory_space<vmem>>, vector<16xi32>,
      %broadcast_in_dim3A_349 = arith.constant 1073741824 : i32
      %broadcast_in_dim3A_350 = vector.broadcast %broadcast_in_dim3A_349 : i32 to vector<16xi32>
      %swap3A_351 = arith.constant 32 : index
      %swap3A_352 = tpu.vector_load %arg10[%swap3A_351] {strides = array<i32>} : memref<64xi32, #tpu.memory_space<vmem>>, vector<16xi32>,
      tpu.vector_store %arg10[%swap3A_351], %broadcast_in_dim3A_350 {strides = array<i32>} : memref<64xi32, #tpu.memory_space<vmem>>, vector<16xi32>,
      %broadcast_in_dim3A_353 = arith.constant 1073741824 : i32
      %broadcast_in_dim3A_354 = vector.broadcast %broadcast_in_dim3A_353 : i32 to vector<16xi32>
      %swap3A_355 = arith.constant 48 : index
      %swap3A_356 = tpu.vector_load %arg10[%swap3A_355] {strides = array<i32>} : memref<64xi32, #tpu.memory_space<vmem>>, vector<16xi32>,
      tpu.vector_store %arg10[%swap3A_355], %broadcast_in_dim3A_354 {strides = array<i32>} : memref<64xi32, #tpu.memory_space<vmem>>, vector<16xi32>,
      %broadcast_in_dim3A_357 = arith.constant 0 : i32
      %broadcast_in_dim3A_358 = vector.broadcast %broadcast_in_dim3A_357 : i32 to vector<16xi32>
      %parallel_loop3A_359 = arith.constant 0 : i32
      %parallel_loop3A_360 = arith.constant 24 : i32
      %parallel_loop3A_361 = arith.constant 1 : i32
      %parallel_loop3A_362 = scf.for %parallel_loop3A_426 = %parallel_loop3A_359 to %parallel_loop3A_360 step %parallel_loop3A_361 iter_args(%parallel_loop3A_427 = %broadcast_in_dim3A_358) -> (vector<16xi32>)  : i32 {
        %parallel_loop3A_428 = arith.constant 16 : i32
        %parallel_loop3A_429 = arith.muli %parallel_loop3A_426, %parallel_loop3A_428 : i32
        %parallel_loop3A_430 = arith.index_cast %parallel_loop3A_429 : i32 to index
        %parallel_loop3A_431 = tpu.vector_load %arg9[%parallel_loop3A_430] {strides = array<i32>} : memref<384xi32, #tpu.memory_space<vmem>>, vector<16xi32>,
        %parallel_loop3A_432 = arith.constant 1073741824 : i32
        %parallel_loop3A_433 = vector.broadcast %parallel_loop3A_432 : i32 to vector<16xi32>
        %parallel_loop3A_434 = arith.cmpi slt, %parallel_loop3A_431, %parallel_loop3A_433 : vector<16xi32>
        %parallel_loop3A_435 = arith.extui %parallel_loop3A_434 : vector<16xi1> to vector<16xi32>
        %parallel_loop3A_436 = arith.constant true
        %parallel_loop3A_437 = vector.broadcast %parallel_loop3A_436 : i1 to vector<16xi1>
        %parallel_loop3A_438 = tpu.scan <sum>, %parallel_loop3A_435 masked %parallel_loop3A_437 : vector<16xi32>, vector<16xi1> -> vector<16xi32>
        %parallel_loop3A_439 = tpu.all_reduce %parallel_loop3A_434 {dim = 0 : i64, kind = #tpu.reduction_kind<sum>} : vector<16xi1> -> vector<16xi32>
        %parallel_loop3A_440 = arith.addi %parallel_loop3A_427, %parallel_loop3A_438 : vector<16xi32>
        %parallel_loop3A_441 = arith.constant 1 : i32
        %parallel_loop3A_442 = vector.broadcast %parallel_loop3A_441 : i32 to vector<16xi32>
        %parallel_loop3A_443 = arith.subi %parallel_loop3A_440, %parallel_loop3A_442 : vector<16xi32>
        %parallel_loop3A_444 = arith.constant 63 : i32
        %parallel_loop3A_445 = vector.broadcast %parallel_loop3A_444 : i32 to vector<16xi32>
        %parallel_loop3A_446 = arith.minsi %parallel_loop3A_443, %parallel_loop3A_445 : vector<16xi32>
        tpu.vector_store_idx %arg10[%parallel_loop3A_446], %parallel_loop3A_431 masked %parallel_loop3A_434 : memref<64xi32, #tpu.memory_space<vmem>>[vector<16xi32>], vector<16xi32>, vector<16xi1>
        %parallel_loop3A_447 = arith.addi %parallel_loop3A_427, %parallel_loop3A_439 : vector<16xi32>
        scf.yield %parallel_loop3A_447 : vector<16xi32>
      } {sc.loop_unroll_factor = 4 : i64, sc.parallel_access}
      %get3A_363 = arith.constant 0 : index
      %get3A_364 = tpu.vector_load %arg10[%get3A_363] {strides = array<i32>} : memref<64xi32, #tpu.memory_space<vmem>>, vector<16xi32>,
      %min3A_365 = arith.constant 10239 : i32
      %min3A_366 = vector.broadcast %min3A_365 : i32 to vector<16xi32>
      %min3A_367 = arith.minsi %get3A_364, %min3A_366 : vector<16xi32>
      %gather3A_368 = tpu.vector_load_idx %arg7[%min3A_367] : memref<10240xf32, #tpu.memory_space<vmem>>[vector<16xi32>], vector<16xf32>,
      %ge3A_369 = arith.constant 1073741824 : i32
      %ge3A_370 = vector.broadcast %ge3A_369 : i32 to vector<16xi32>
      %ge3A_371 = arith.cmpi sge, %get3A_364, %ge3A_370 : vector<16xi32>
      %jit3A_372 = arith.constant -3.000000e+00 : f32
      %broadcast_in_dim3A_373 = vector.broadcast %jit3A_372 : f32 to vector<16xf32>
      %select_n3A_374 = arith.select %ge3A_371, %broadcast_in_dim3A_373, %gather3A_368 : vector<16xi1>, vector<16xf32>
      %get3A_375 = arith.constant 16 : index
      %get3A_376 = tpu.vector_load %arg10[%get3A_375] {strides = array<i32>} : memref<64xi32, #tpu.memory_space<vmem>>, vector<16xi32>,
      %min3A_377 = arith.constant 10239 : i32
      %min3A_378 = vector.broadcast %min3A_377 : i32 to vector<16xi32>
      %min3A_379 = arith.minsi %get3A_376, %min3A_378 : vector<16xi32>
      %gather3A_380 = tpu.vector_load_idx %arg7[%min3A_379] : memref<10240xf32, #tpu.memory_space<vmem>>[vector<16xi32>], vector<16xf32>,
      %ge3A_381 = arith.constant 1073741824 : i32
      %ge3A_382 = vector.broadcast %ge3A_381 : i32 to vector<16xi32>
      %ge3A_383 = arith.cmpi sge, %get3A_376, %ge3A_382 : vector<16xi32>
      %jit3A_384 = arith.constant -3.000000e+00 : f32
      %broadcast_in_dim3A_385 = vector.broadcast %jit3A_384 : f32 to vector<16xf32>
      %select_n3A_386 = arith.select %ge3A_383, %broadcast_in_dim3A_385, %gather3A_380 : vector<16xi1>, vector<16xf32>
      %get3A_387 = arith.constant 32 : index
      %get3A_388 = tpu.vector_load %arg10[%get3A_387] {strides = array<i32>} : memref<64xi32, #tpu.memory_space<vmem>>, vector<16xi32>,
      %min3A_389 = arith.constant 10239 : i32
      %min3A_390 = vector.broadcast %min3A_389 : i32 to vector<16xi32>
      %min3A_391 = arith.minsi %get3A_388, %min3A_390 : vector<16xi32>
      %gather3A_392 = tpu.vector_load_idx %arg7[%min3A_391] : memref<10240xf32, #tpu.memory_space<vmem>>[vector<16xi32>], vector<16xf32>,
      %ge3A_393 = arith.constant 1073741824 : i32
      %ge3A_394 = vector.broadcast %ge3A_393 : i32 to vector<16xi32>
      %ge3A_395 = arith.cmpi sge, %get3A_388, %ge3A_394 : vector<16xi32>
      %jit3A_396 = arith.constant -3.000000e+00 : f32
      %broadcast_in_dim3A_397 = vector.broadcast %jit3A_396 : f32 to vector<16xf32>
      %select_n3A_398 = arith.select %ge3A_395, %broadcast_in_dim3A_397, %gather3A_392 : vector<16xi1>, vector<16xf32>
      %get3A_399 = arith.constant 48 : index
      %get3A_400 = tpu.vector_load %arg10[%get3A_399] {strides = array<i32>} : memref<64xi32, #tpu.memory_space<vmem>>, vector<16xi32>,
      %min3A_401 = arith.constant 10239 : i32
      %min3A_402 = vector.broadcast %min3A_401 : i32 to vector<16xi32>
      %min3A_403 = arith.minsi %get3A_400, %min3A_402 : vector<16xi32>
      %gather3A_404 = tpu.vector_load_idx %arg7[%min3A_403] : memref<10240xf32, #tpu.memory_space<vmem>>[vector<16xi32>], vector<16xf32>,
      %ge3A_405 = arith.constant 1073741824 : i32
      %ge3A_406 = vector.broadcast %ge3A_405 : i32 to vector<16xi32>
      %ge3A_407 = arith.cmpi sge, %get3A_400, %ge3A_406 : vector<16xi32>
      %jit3A_408 = arith.constant -3.000000e+00 : f32
      %broadcast_in_dim3A_409 = vector.broadcast %jit3A_408 : f32 to vector<16xf32>
      %select_n3A_410 = arith.select %ge3A_407, %broadcast_in_dim3A_409, %gather3A_404 : vector<16xi1>, vector<16xf32>
      %mul3A_411 = arith.constant 2 : i32
      %mul3A_412 = arith.muli %mul3A_411, %scan3A_29 : i32
      %mul3A_413 = arith.constant 2 : i32
      %mul3A_414 = arith.muli %mul3A_413, %scan3A_29 : i32
      %add3A_415 = arith.constant 1 : i32
      %add3A_416 = arith.addi %mul3A_414, %add3A_415 : i32
      %scan3A_417 = arith.constant 1073741824 : i32
      %scan3A_418 = arith.constant 1073741824 : i32
      %scan3A_419 = arith.constant 0 : i32
      %scan3A_420 = arith.constant 33 : i32
      %scan3A_421 = arith.addi %scan3A_419, %scan3A_420 : i32
      %scan3A_422 = arith.constant 1 : i32
      %scan3A_423:10 = scf.for %scan3A_426 = %scan3A_419 to %scan3A_421 step %scan3A_422 iter_args(%scan3A_427 = %scan3A_417, %scan3A_428 = %scan3A_418, %scan3A_429 = %select_n3A, %scan3A_430 = %select_n3A_192, %scan3A_431 = %select_n3A_204, %scan3A_432 = %select_n3A_216, %scan3A_433 = %select_n3A_374, %scan3A_434 = %select_n3A_386, %scan3A_435 = %select_n3A_398, %scan3A_436 = %select_n3A_410) -> (i32, i32, vector<16xf32>, vector<16xf32>, vector<16xf32>, vector<16xf32>, vector<16xf32>, vector<16xf32>, vector<16xf32>, vector<16xf32>)  : i32 {
        %broadcast_in_dim3A_437 = arith.constant -9.000000e+00 : f32
        %broadcast_in_dim3A_438 = vector.broadcast %broadcast_in_dim3A_437 : f32 to vector<16xf32>
        %broadcast_in_dim3A_439 = arith.constant 1073741824 : i32
        %broadcast_in_dim3A_440 = vector.broadcast %broadcast_in_dim3A_439 : i32 to vector<16xi32>
        %eq3A_441 = vector.broadcast %scan3A_427 : i32 to vector<16xi32>
        %eq3A_442 = arith.cmpi eq, %get3A_173, %eq3A_441 : vector<16xi32>
        %jit3A_443 = arith.constant -3.000000e+00 : f32
        %broadcast_in_dim3A_444 = vector.broadcast %jit3A_443 : f32 to vector<16xf32>
        %select_n3A_445 = arith.select %eq3A_442, %broadcast_in_dim3A_444, %scan3A_429 : vector<16xi1>, vector<16xf32>
        %gt3A = arith.cmpf ogt, %select_n3A_445, %broadcast_in_dim3A_438 : vector<16xf32>
        %eq3A_446 = arith.cmpf oeq, %select_n3A_445, %broadcast_in_dim3A_438 : vector<16xf32>
        %lt3A = arith.cmpi slt, %get3A_173, %broadcast_in_dim3A_440 : vector<16xi32>
        %and3A = arith.andi %eq3A_446, %lt3A : vector<16xi1>
        %or3A = arith.ori %gt3A, %and3A : vector<16xi1>
        %select_n3A_447 = arith.select %or3A, %select_n3A_445, %broadcast_in_dim3A_438 : vector<16xi1>, vector<16xf32>
        %select_n3A_448 = arith.select %or3A, %get3A_173, %broadcast_in_dim3A_440 : vector<16xi1>, vector<16xi32>
        %eq3A_449 = vector.broadcast %scan3A_427 : i32 to vector<16xi32>
        %eq3A_450 = arith.cmpi eq, %get3A_182, %eq3A_449 : vector<16xi32>
        %jit3A_451 = arith.constant -3.000000e+00 : f32
        %broadcast_in_dim3A_452 = vector.broadcast %jit3A_451 : f32 to vector<16xf32>
        %select_n3A_453 = arith.select %eq3A_450, %broadcast_in_dim3A_452, %scan3A_430 : vector<16xi1>, vector<16xf32>
        %gt3A_454 = arith.cmpf ogt, %select_n3A_453, %select_n3A_447 : vector<16xf32>
        %eq3A_455 = arith.cmpf oeq, %select_n3A_453, %select_n3A_447 : vector<16xf32>
        %lt3A_456 = arith.cmpi slt, %get3A_182, %select_n3A_448 : vector<16xi32>
        %and3A_457 = arith.andi %eq3A_455, %lt3A_456 : vector<16xi1>
        %or3A_458 = arith.ori %gt3A_454, %and3A_457 : vector<16xi1>
        %select_n3A_459 = arith.select %or3A_458, %select_n3A_453, %select_n3A_447 : vector<16xi1>, vector<16xf32>
        %select_n3A_460 = arith.select %or3A_458, %get3A_182, %select_n3A_448 : vector<16xi1>, vector<16xi32>
        %eq3A_461 = vector.broadcast %scan3A_427 : i32 to vector<16xi32>
        %eq3A_462 = arith.cmpi eq, %get3A_194, %eq3A_461 : vector<16xi32>
        %jit3A_463 = arith.constant -3.000000e+00 : f32
        %broadcast_in_dim3A_464 = vector.broadcast %jit3A_463 : f32 to vector<16xf32>
        %select_n3A_465 = arith.select %eq3A_462, %broadcast_in_dim3A_464, %scan3A_431 : vector<16xi1>, vector<16xf32>
        %gt3A_466 = arith.cmpf ogt, %select_n3A_465, %select_n3A_459 : vector<16xf32>
        %eq3A_467 = arith.cmpf oeq, %select_n3A_465, %select_n3A_459 : vector<16xf32>
        %lt3A_468 = arith.cmpi slt, %get3A_194, %select_n3A_460 : vector<16xi32>
        %and3A_469 = arith.andi %eq3A_467, %lt3A_468 : vector<16xi1>
        %or3A_470 = arith.ori %gt3A_466, %and3A_469 : vector<16xi1>
        %select_n3A_471 = arith.select %or3A_470, %select_n3A_465, %select_n3A_459 : vector<16xi1>, vector<16xf32>
        %select_n3A_472 = arith.select %or3A_470, %get3A_194, %select_n3A_460 : vector<16xi1>, vector<16xi32>
        %eq3A_473 = vector.broadcast %scan3A_427 : i32 to vector<16xi32>
        %eq3A_474 = arith.cmpi eq, %get3A_206, %eq3A_473 : vector<16xi32>
        %jit3A_475 = arith.constant -3.000000e+00 : f32
        %broadcast_in_dim3A_476 = vector.broadcast %jit3A_475 : f32 to vector<16xf32>
        %select_n3A_477 = arith.select %eq3A_474, %broadcast_in_dim3A_476, %scan3A_432 : vector<16xi1>, vector<16xf32>
        %gt3A_478 = arith.cmpf ogt, %select_n3A_477, %select_n3A_471 : vector<16xf32>
        %eq3A_479 = arith.cmpf oeq, %select_n3A_477, %select_n3A_471 : vector<16xf32>
        %lt3A_480 = arith.cmpi slt, %get3A_206, %select_n3A_472 : vector<16xi32>
        %and3A_481 = arith.andi %eq3A_479, %lt3A_480 : vector<16xi1>
        %or3A_482 = arith.ori %gt3A_478, %and3A_481 : vector<16xi1>
        %select_n3A_483 = arith.select %or3A_482, %select_n3A_477, %select_n3A_471 : vector<16xi1>, vector<16xf32>
        %select_n3A_484 = arith.select %or3A_482, %get3A_206, %select_n3A_472 : vector<16xi1>, vector<16xi32>
        %reduce_max3A = arith.constant true
        %reduce_max3A_485 = vector.broadcast %reduce_max3A : i1 to vector<16xi1>
        %reduce_max3A_486 = tpu.scan <max>, %select_n3A_483 masked %reduce_max3A_485 : vector<16xf32>, vector<16xi1> -> vector<16xf32>
        %reduce_max3A_487 = vector.extract %reduce_max3A_486[15] : f32 from vector<16xf32>
        %eq3A_488 = vector.broadcast %reduce_max3A_487 : f32 to vector<16xf32>
        %eq3A_489 = arith.cmpf oeq, %select_n3A_483, %eq3A_488 : vector<16xf32>
        %jit3A_490 = arith.constant 1073741824 : i32
        %broadcast_in_dim3A_491 = vector.broadcast %jit3A_490 : i32 to vector<16xi32>
        %select_n3A_492 = arith.select %eq3A_489, %select_n3A_484, %broadcast_in_dim3A_491 : vector<16xi1>, vector<16xi32>
        %reduce_min3A = arith.constant true
        %reduce_min3A_493 = vector.broadcast %reduce_min3A : i1 to vector<16xi1>
        %reduce_min3A_494 = arith.constant -2147483648 : i32
        %reduce_min3A_495 = vector.broadcast %reduce_min3A_494 : i32 to vector<16xi32>
        %reduce_min3A_496 = arith.xori %select_n3A_492, %reduce_min3A_495 : vector<16xi32>
        %reduce_min3A_497 = tpu.scan <min>, %reduce_min3A_496 masked %reduce_min3A_493 : vector<16xi32>, vector<16xi1> -> vector<16xi32>
        %reduce_min3A_498 = arith.xori %reduce_min3A_497, %reduce_min3A_495 : vector<16xi32>
        %reduce_min3A_499 = vector.extract %reduce_min3A_498[15] : i32 from vector<16xi32>
        %broadcast_in_dim3A_500 = arith.constant -9.000000e+00 : f32
        %broadcast_in_dim3A_501 = vector.broadcast %broadcast_in_dim3A_500 : f32 to vector<16xf32>
        %broadcast_in_dim3A_502 = arith.constant 1073741824 : i32
        %broadcast_in_dim3A_503 = vector.broadcast %broadcast_in_dim3A_502 : i32 to vector<16xi32>
        %eq3A_504 = vector.broadcast %scan3A_428 : i32 to vector<16xi32>
        %eq3A_505 = arith.cmpi eq, %get3A_364, %eq3A_504 : vector<16xi32>
        %jit3A_506 = arith.constant -3.000000e+00 : f32
        %broadcast_in_dim3A_507 = vector.broadcast %jit3A_506 : f32 to vector<16xf32>
        %select_n3A_508 = arith.select %eq3A_505, %broadcast_in_dim3A_507, %scan3A_433 : vector<16xi1>, vector<16xf32>
        %gt3A_509 = arith.cmpf ogt, %select_n3A_508, %broadcast_in_dim3A_501 : vector<16xf32>
        %eq3A_510 = arith.cmpf oeq, %select_n3A_508, %broadcast_in_dim3A_501 : vector<16xf32>
        %lt3A_511 = arith.cmpi slt, %get3A_364, %broadcast_in_dim3A_503 : vector<16xi32>
        %and3A_512 = arith.andi %eq3A_510, %lt3A_511 : vector<16xi1>
        %or3A_513 = arith.ori %gt3A_509, %and3A_512 : vector<16xi1>
        %select_n3A_514 = arith.select %or3A_513, %select_n3A_508, %broadcast_in_dim3A_501 : vector<16xi1>, vector<16xf32>
        %select_n3A_515 = arith.select %or3A_513, %get3A_364, %broadcast_in_dim3A_503 : vector<16xi1>, vector<16xi32>
        %eq3A_516 = vector.broadcast %scan3A_428 : i32 to vector<16xi32>
        %eq3A_517 = arith.cmpi eq, %get3A_376, %eq3A_516 : vector<16xi32>
        %jit3A_518 = arith.constant -3.000000e+00 : f32
        %broadcast_in_dim3A_519 = vector.broadcast %jit3A_518 : f32 to vector<16xf32>
        %select_n3A_520 = arith.select %eq3A_517, %broadcast_in_dim3A_519, %scan3A_434 : vector<16xi1>, vector<16xf32>
        %gt3A_521 = arith.cmpf ogt, %select_n3A_520, %select_n3A_514 : vector<16xf32>
        %eq3A_522 = arith.cmpf oeq, %select_n3A_520, %select_n3A_514 : vector<16xf32>
        %lt3A_523 = arith.cmpi slt, %get3A_376, %select_n3A_515 : vector<16xi32>
        %and3A_524 = arith.andi %eq3A_522, %lt3A_523 : vector<16xi1>
        %or3A_525 = arith.ori %gt3A_521, %and3A_524 : vector<16xi1>
        %select_n3A_526 = arith.select %or3A_525, %select_n3A_520, %select_n3A_514 : vector<16xi1>, vector<16xf32>
        %select_n3A_527 = arith.select %or3A_525, %get3A_376, %select_n3A_515 : vector<16xi1>, vector<16xi32>
        %eq3A_528 = vector.broadcast %scan3A_428 : i32 to vector<16xi32>
        %eq3A_529 = arith.cmpi eq, %get3A_388, %eq3A_528 : vector<16xi32>
        %jit3A_530 = arith.constant -3.000000e+00 : f32
        %broadcast_in_dim3A_531 = vector.broadcast %jit3A_530 : f32 to vector<16xf32>
        %select_n3A_532 = arith.select %eq3A_529, %broadcast_in_dim3A_531, %scan3A_435 : vector<16xi1>, vector<16xf32>
        %gt3A_533 = arith.cmpf ogt, %select_n3A_532, %select_n3A_526 : vector<16xf32>
        %eq3A_534 = arith.cmpf oeq, %select_n3A_532, %select_n3A_526 : vector<16xf32>
        %lt3A_535 = arith.cmpi slt, %get3A_388, %select_n3A_527 : vector<16xi32>
        %and3A_536 = arith.andi %eq3A_534, %lt3A_535 : vector<16xi1>
        %or3A_537 = arith.ori %gt3A_533, %and3A_536 : vector<16xi1>
        %select_n3A_538 = arith.select %or3A_537, %select_n3A_532, %select_n3A_526 : vector<16xi1>, vector<16xf32>
        %select_n3A_539 = arith.select %or3A_537, %get3A_388, %select_n3A_527 : vector<16xi1>, vector<16xi32>
        %eq3A_540 = vector.broadcast %scan3A_428 : i32 to vector<16xi32>
        %eq3A_541 = arith.cmpi eq, %get3A_400, %eq3A_540 : vector<16xi32>
        %jit3A_542 = arith.constant -3.000000e+00 : f32
        %broadcast_in_dim3A_543 = vector.broadcast %jit3A_542 : f32 to vector<16xf32>
        %select_n3A_544 = arith.select %eq3A_541, %broadcast_in_dim3A_543, %scan3A_436 : vector<16xi1>, vector<16xf32>
        %gt3A_545 = arith.cmpf ogt, %select_n3A_544, %select_n3A_538 : vector<16xf32>
        %eq3A_546 = arith.cmpf oeq, %select_n3A_544, %select_n3A_538 : vector<16xf32>
        %lt3A_547 = arith.cmpi slt, %get3A_400, %select_n3A_539 : vector<16xi32>
        %and3A_548 = arith.andi %eq3A_546, %lt3A_547 : vector<16xi1>
        %or3A_549 = arith.ori %gt3A_545, %and3A_548 : vector<16xi1>
        %select_n3A_550 = arith.select %or3A_549, %select_n3A_544, %select_n3A_538 : vector<16xi1>, vector<16xf32>
        %select_n3A_551 = arith.select %or3A_549, %get3A_400, %select_n3A_539 : vector<16xi1>, vector<16xi32>
        %reduce_max3A_552 = arith.constant true
        %reduce_max3A_553 = vector.broadcast %reduce_max3A_552 : i1 to vector<16xi1>
        %reduce_max3A_554 = tpu.scan <max>, %select_n3A_550 masked %reduce_max3A_553 : vector<16xf32>, vector<16xi1> -> vector<16xf32>
        %reduce_max3A_555 = vector.extract %reduce_max3A_554[15] : f32 from vector<16xf32>
        %eq3A_556 = vector.broadcast %reduce_max3A_555 : f32 to vector<16xf32>
        %eq3A_557 = arith.cmpf oeq, %select_n3A_550, %eq3A_556 : vector<16xf32>
        %jit3A_558 = arith.constant 1073741824 : i32
        %broadcast_in_dim3A_559 = vector.broadcast %jit3A_558 : i32 to vector<16xi32>
        %select_n3A_560 = arith.select %eq3A_557, %select_n3A_551, %broadcast_in_dim3A_559 : vector<16xi1>, vector<16xi32>
        %reduce_min3A_561 = arith.constant true
        %reduce_min3A_562 = vector.broadcast %reduce_min3A_561 : i1 to vector<16xi1>
        %reduce_min3A_563 = arith.constant -2147483648 : i32
        %reduce_min3A_564 = vector.broadcast %reduce_min3A_563 : i32 to vector<16xi32>
        %reduce_min3A_565 = arith.xori %select_n3A_560, %reduce_min3A_564 : vector<16xi32>
        %reduce_min3A_566 = tpu.scan <min>, %reduce_min3A_565 masked %reduce_min3A_562 : vector<16xi32>, vector<16xi1> -> vector<16xi32>
        %reduce_min3A_567 = arith.xori %reduce_min3A_566, %reduce_min3A_564 : vector<16xi32>
        %reduce_min3A_568 = vector.extract %reduce_min3A_567[15] : i32 from vector<16xi32>
        %broadcast_in_dim3A_569 = vector.broadcast %mul3A_412 : i32 to vector<16xi32>
        %broadcast_in_dim3A_570 = vector.broadcast %scan3A_426 : i32 to vector<16xi32>
        %broadcast_in_dim3A_571 = vector.broadcast %reduce_max3A_487 : f32 to vector<16xf32>
        tpu.vector_store_idx %arg11[%broadcast_in_dim3A_569, %broadcast_in_dim3A_570], %broadcast_in_dim3A_571 masked %eq3A_4 : memref<320x48xf32, #tpu.memory_space<vmem>>[vector<16xi32>, vector<16xi32>], vector<16xf32>, vector<16xi1>
        %broadcast_in_dim3A_572 = vector.broadcast %reduce_min3A_499 : i32 to vector<16xi32>
        tpu.vector_store_idx %arg12[%broadcast_in_dim3A_569, %broadcast_in_dim3A_570], %broadcast_in_dim3A_572 masked %eq3A_4 : memref<320x48xi32, #tpu.memory_space<vmem>>[vector<16xi32>, vector<16xi32>], vector<16xi32>, vector<16xi1>
        %broadcast_in_dim3A_573 = vector.broadcast %add3A_416 : i32 to vector<16xi32>
        %broadcast_in_dim3A_574 = vector.broadcast %scan3A_426 : i32 to vector<16xi32>
        %broadcast_in_dim3A_575 = vector.broadcast %reduce_max3A_555 : f32 to vector<16xf32>
        tpu.vector_store_idx %arg11[%broadcast_in_dim3A_573, %broadcast_in_dim3A_574], %broadcast_in_dim3A_575 masked %eq3A_4 : memref<320x48xf32, #tpu.memory_space<vmem>>[vector<16xi32>, vector<16xi32>], vector<16xf32>, vector<16xi1>
        %broadcast_in_dim3A_576 = vector.broadcast %reduce_min3A_568 : i32 to vector<16xi32>
        tpu.vector_store_idx %arg12[%broadcast_in_dim3A_573, %broadcast_in_dim3A_574], %broadcast_in_dim3A_576 masked %eq3A_4 : memref<320x48xi32, #tpu.memory_space<vmem>>[vector<16xi32>, vector<16xi32>], vector<16xi32>, vector<16xi1>
        scf.yield %reduce_min3A_499, %reduce_min3A_568, %select_n3A_445, %select_n3A_453, %select_n3A_465, %select_n3A_477, %select_n3A_508, %select_n3A_520, %select_n3A_532, %select_n3A_544 : i32, i32, vector<16xf32>, vector<16xf32>, vector<16xf32>, vector<16xf32>, vector<16xf32>, vector<16xf32>, vector<16xf32>, vector<16xf32>
      }
      %scan3A_424 = arith.constant 33 : i32
      %scan3A_425 = arith.constant 0 : i32
      scf.yield %scan3A_425 : i32
    }
    %scan3A_21 = arith.constant 160 : i32
    %add3A_22 = arith.constant 320 : i32
    %add3A_23 = arith.addi %mul3A_2, %add3A_22 : i32
    %min3A_24 = arith.constant 9999 : i32
    %min3A_25 = arith.minsi %add3A_23, %min3A_24 : i32
    %mul3A_26 = arith.constant 10240 : i32
    %mul3A_27 = arith.muli %min3A_25, %mul3A_26 : i32
    %dma_wait3A = tpu.memref_slice %arg2[%mul3A_27] : memref<102400000xf32, #tpu.memory_space<hbm>> -> memref<10240xf32, #tpu.memory_space<hbm>>
    %dma_wait3A_28 = tpu.memref_slice %arg2[%mul3A_27] : memref<102400000xf32, #tpu.memory_space<hbm>> -> memref<10240xf32, #tpu.memory_space<hbm>>
    tpu.wait_dma2 semaphore(%arg13 : memref<!tpu.dma_semaphore, #tpu.memory_space<semaphore_mem>>) src(%dma_wait3A_28 : memref<10240xf32, #tpu.memory_space<hbm>>) dst(%arg6 : memref<10240xf32, #tpu.memory_space<vmem>>)
    "tpu.region"() ({
      %run_scoped3A = tpu.sem_alloc : memref<!tpu.dma_semaphore, #tpu.memory_space<semaphore_mem>>
      %dma_start3A_29 = arith.constant 0 : i32
      %dma_start3A_30 = arith.constant 0 : i32
      %dma_start3A_31 = tpu.memref_slice %arg11[%dma_start3A_29, %dma_start3A_30] : memref<320x48xf32, #tpu.memory_space<vmem>> -> memref<320x48xf32, #tpu.memory_space<vmem>>
      %dma_start3A_32 = arith.constant 0 : i32
      %dma_start3A_33 = tpu.memref_slice %arg4[%mul3A_2, %dma_start3A_32] : memref<10240x48xf32, #tpu.memory_space<hbm>> -> memref<320x48xf32, #tpu.memory_space<hbm>>
      %dma_start3A_34 = arith.constant 0 : i32
      %dma_start3A_35 = tpu.memref_slice %arg4[%mul3A_2, %dma_start3A_34] : memref<10240x48xf32, #tpu.memory_space<hbm>> -> memref<320x48xf32, #tpu.memory_space<hbm>>
      %dma_start3A_36 = arith.constant 0 : i32
      %dma_start3A_37 = arith.constant 0 : i32
      %dma_start3A_38 = tpu.memref_slice %arg11[%dma_start3A_36, %dma_start3A_37] : memref<320x48xf32, #tpu.memory_space<vmem>> -> memref<320x48xf32, #tpu.memory_space<vmem>>
      tpu.enqueue_dma source(%dma_start3A_38 : memref<320x48xf32, #tpu.memory_space<vmem>>) target(%dma_start3A_35 : memref<320x48xf32, #tpu.memory_space<hbm>>) target_semaphore(%run_scoped3A : memref<!tpu.dma_semaphore, #tpu.memory_space<semaphore_mem>>)
      %dma_wait3A_39 = arith.constant 0 : i32
      %dma_wait3A_40 = arith.constant 0 : i32
      %dma_wait3A_41 = tpu.memref_slice %arg11[%dma_wait3A_39, %dma_wait3A_40] : memref<320x48xf32, #tpu.memory_space<vmem>> -> memref<320x48xf32, #tpu.memory_space<vmem>>
      %dma_wait3A_42 = arith.constant 0 : i32
      %dma_wait3A_43 = tpu.memref_slice %arg4[%mul3A_2, %dma_wait3A_42] : memref<10240x48xf32, #tpu.memory_space<hbm>> -> memref<320x48xf32, #tpu.memory_space<hbm>>
      %dma_wait3A_44 = arith.constant 0 : i32
      %dma_wait3A_45 = tpu.memref_slice %arg4[%mul3A_2, %dma_wait3A_44] : memref<10240x48xf32, #tpu.memory_space<hbm>> -> memref<320x48xf32, #tpu.memory_space<hbm>>
      %dma_wait3A_46 = arith.constant 0 : i32
      %dma_wait3A_47 = arith.constant 0 : i32
      %dma_wait3A_48 = tpu.memref_slice %arg11[%dma_wait3A_46, %dma_wait3A_47] : memref<320x48xf32, #tpu.memory_space<vmem>> -> memref<320x48xf32, #tpu.memory_space<vmem>>
      tpu.wait_dma2 semaphore(%run_scoped3A : memref<!tpu.dma_semaphore, #tpu.memory_space<semaphore_mem>>) src(%dma_wait3A_48 : memref<320x48xf32, #tpu.memory_space<vmem>>) dst(%dma_wait3A_45 : memref<320x48xf32, #tpu.memory_space<hbm>>)
      tpu.yield
    }) : () -> ()
    "tpu.region"() ({
      %run_scoped3A = tpu.sem_alloc : memref<!tpu.dma_semaphore, #tpu.memory_space<semaphore_mem>>
      %dma_start3A_29 = arith.constant 0 : i32
      %dma_start3A_30 = arith.constant 0 : i32
      %dma_start3A_31 = tpu.memref_slice %arg12[%dma_start3A_29, %dma_start3A_30] : memref<320x48xi32, #tpu.memory_space<vmem>> -> memref<320x48xi32, #tpu.memory_space<vmem>>
      %dma_start3A_32 = arith.constant 0 : i32
      %dma_start3A_33 = tpu.memref_slice %arg5[%mul3A_2, %dma_start3A_32] : memref<10240x48xi32, #tpu.memory_space<hbm>> -> memref<320x48xi32, #tpu.memory_space<hbm>>
      %dma_start3A_34 = arith.constant 0 : i32
      %dma_start3A_35 = tpu.memref_slice %arg5[%mul3A_2, %dma_start3A_34] : memref<10240x48xi32, #tpu.memory_space<hbm>> -> memref<320x48xi32, #tpu.memory_space<hbm>>
      %dma_start3A_36 = arith.constant 0 : i32
      %dma_start3A_37 = arith.constant 0 : i32
      %dma_start3A_38 = tpu.memref_slice %arg12[%dma_start3A_36, %dma_start3A_37] : memref<320x48xi32, #tpu.memory_space<vmem>> -> memref<320x48xi32, #tpu.memory_space<vmem>>
      tpu.enqueue_dma source(%dma_start3A_38 : memref<320x48xi32, #tpu.memory_space<vmem>>) target(%dma_start3A_35 : memref<320x48xi32, #tpu.memory_space<hbm>>) target_semaphore(%run_scoped3A : memref<!tpu.dma_semaphore, #tpu.memory_space<semaphore_mem>>)
      %dma_wait3A_39 = arith.constant 0 : i32
      %dma_wait3A_40 = arith.constant 0 : i32
      %dma_wait3A_41 = tpu.memref_slice %arg12[%dma_wait3A_39, %dma_wait3A_40] : memref<320x48xi32, #tpu.memory_space<vmem>> -> memref<320x48xi32, #tpu.memory_space<vmem>>
      %dma_wait3A_42 = arith.constant 0 : i32
      %dma_wait3A_43 = tpu.memref_slice %arg5[%mul3A_2, %dma_wait3A_42] : memref<10240x48xi32, #tpu.memory_space<hbm>> -> memref<320x48xi32, #tpu.memory_space<hbm>>
      %dma_wait3A_44 = arith.constant 0 : i32
      %dma_wait3A_45 = tpu.memref_slice %arg5[%mul3A_2, %dma_wait3A_44] : memref<10240x48xi32, #tpu.memory_space<hbm>> -> memref<320x48xi32, #tpu.memory_space<hbm>>
      %dma_wait3A_46 = arith.constant 0 : i32
      %dma_wait3A_47 = arith.constant 0 : i32
      %dma_wait3A_48 = tpu.memref_slice %arg12[%dma_wait3A_46, %dma_wait3A_47] : memref<320x48xi32, #tpu.memory_space<vmem>> -> memref<320x48xi32, #tpu.memory_space<vmem>>
      tpu.wait_dma2 semaphore(%run_scoped3A : memref<!tpu.dma_semaphore, #tpu.memory_space<semaphore_mem>>) src(%dma_wait3A_48 : memref<320x48xi32, #tpu.memory_space<vmem>>) dst(%dma_wait3A_45 : memref<320x48xi32, #tpu.memory_space<hbm>>)
      tpu.yield
    }) : () -> ()
    return
  }
}

module attributes {stable_mosaic.version = 14 : i64} {
  func.func @_emb_body(%arg0: i32, %arg1: memref<2000x256xf32, #tpu.memory_space<vmem>>, %arg2: memref<256x256xf32, #tpu.memory_space<vmem>>, %arg3: memref<1x256xf32, #tpu.memory_space<vmem>>, %arg4: memref<256x256xf32, #tpu.memory_space<vmem>>, %arg5: memref<1x256xf32, #tpu.memory_space<vmem>>, %arg6: memref<2000x256xf32, #tpu.memory_space<vmem>>) attributes {dimension_semantics = [#tpu.dimension_semantics<arbitrary>], iteration_bounds = array<i64: 5>, scalar_prefetch = 0 : i64, scratch_operands = 0 : i64, tpu.core_type = #tpu.core_type<tc>, window_params = [{transform_indices = @transform_0, window_bounds = array<i64: 2000, 256>}, {pipeline_mode = #tpu.pipeline_mode<synchronous>, transform_indices = @transform_1, window_bounds = array<i64: 256, 256>}, {pipeline_mode = #tpu.pipeline_mode<synchronous>, transform_indices = @transform_2, window_bounds = array<i64: 1, 256>}, {pipeline_mode = #tpu.pipeline_mode<synchronous>, transform_indices = @transform_3, window_bounds = array<i64: 256, 256>}, {pipeline_mode = #tpu.pipeline_mode<synchronous>, transform_indices = @transform_4, window_bounds = array<i64: 1, 256>}, {transform_indices = @transform_5, window_bounds = array<i64: 2000, 256>}]} {
    %get3A = arith.constant 0 : index
    %get3A_0 = arith.constant 0 : index
    %get3A_1 = vector.load %arg1[%get3A, %get3A_0] : memref<2000x256xf32, #tpu.memory_space<vmem>>, vector<2000x256xf32>
    %get3A_2 = arith.constant 0 : index
    %get3A_3 = arith.constant 0 : index
    %get3A_4 = vector.load %arg2[%get3A_2, %get3A_3] : memref<256x256xf32, #tpu.memory_space<vmem>>, vector<256x256xf32>
    %dot_general3A = arith.constant dense<0.000000e+00> : vector<2000x256xf32>
    %dot_general3A_5 = tpu.matmul %get3A_1, %get3A_4, %dot_general3A {dimension_numbers = #tpu.dot_dimension_numbers<[1], [1], [0], [0], [0, 0, 1, 0], [], []>, transpose_lhs_hint = false} : vector<2000x256xf32>, vector<256x256xf32>, vector<2000x256xf32> -> vector<2000x256xf32>
    %get3A_6 = arith.constant 0 : index
    %get3A_7 = arith.constant 0 : index
    %get3A_8 = vector.load %arg3[%get3A_6, %get3A_7] : memref<1x256xf32, #tpu.memory_space<vmem>>, vector<1x256xf32>
    %add3A = vector.broadcast %get3A_8 : vector<1x256xf32> to vector<2000x256xf32>
    %add3A_9 = arith.addf %dot_general3A_5, %add3A : vector<2000x256xf32>
    %max3A = arith.constant 0.000000e+00 : f32
    %max3A_10 = vector.broadcast %max3A : f32 to vector<2000x256xf32>
    %max3A_11 = arith.maximumf %add3A_9, %max3A_10 : vector<2000x256xf32>
    %get3A_12 = arith.constant 0 : index
    %get3A_13 = arith.constant 0 : index
    %get3A_14 = vector.load %arg4[%get3A_12, %get3A_13] : memref<256x256xf32, #tpu.memory_space<vmem>>, vector<256x256xf32>
    %dot_general3A_15 = arith.constant dense<0.000000e+00> : vector<2000x256xf32>
    %dot_general3A_16 = tpu.matmul %max3A_11, %get3A_14, %dot_general3A_15 {dimension_numbers = #tpu.dot_dimension_numbers<[1], [1], [0], [0], [0, 0, 1, 0], [], []>, transpose_lhs_hint = false} : vector<2000x256xf32>, vector<256x256xf32>, vector<2000x256xf32> -> vector<2000x256xf32>
    %get3A_17 = arith.constant 0 : index
    %get3A_18 = arith.constant 0 : index
    %get3A_19 = vector.load %arg5[%get3A_17, %get3A_18] : memref<1x256xf32, #tpu.memory_space<vmem>>, vector<1x256xf32>
    %add3A_20 = vector.broadcast %get3A_19 : vector<1x256xf32> to vector<2000x256xf32>
    %add3A_21 = arith.addf %dot_general3A_16, %add3A_20 : vector<2000x256xf32>
    %mul3A = arith.mulf %add3A_21, %add3A_21 : vector<2000x256xf32>
    %reduce_sum3A = arith.constant dense<0.000000e+00> : vector<2000xf32>
    %reduce_sum3A_22 = vector.multi_reduction <add>, %mul3A, %reduce_sum3A [1] : vector<2000x256xf32> to vector<2000xf32>
    %broadcast_in_dim3A = vector.shape_cast %reduce_sum3A_22 : vector<2000xf32> to vector<2000x1xf32>
    %sqrt3A = math.sqrt %broadcast_in_dim3A : vector<2000x1xf32>
    %max3A_23 = arith.constant 9.99999996E-13 : f32
    %max3A_24 = vector.broadcast %max3A_23 : f32 to vector<2000x1xf32>
    %max3A_25 = arith.maximumf %sqrt3A, %max3A_24 : vector<2000x1xf32>
    %div3A = vector.broadcast %max3A_25 : vector<2000x1xf32> to vector<2000x256xf32>
    %div3A_26 = arith.divf %add3A_21, %div3A : vector<2000x256xf32>
    %swap3A = arith.constant 0 : index
    %swap3A_27 = arith.constant 0 : index
    %swap3A_28 = vector.load %arg6[%swap3A, %swap3A_27] : memref<2000x256xf32, #tpu.memory_space<vmem>>, vector<2000x256xf32>
    tpu.vector_store %arg6[%swap3A, %swap3A_27], %div3A_26 {strides = array<i32>} : memref<2000x256xf32, #tpu.memory_space<vmem>>, vector<2000x256xf32>,
    return
  }
  func.func @transform_0(%arg0: i32) -> (i32, i32) {
    %c0_i32 = arith.constant 0 : i32
    %c0_i32_0 = arith.constant 0 : i32
    return %arg0, %c0_i32 : i32, i32
  }
  func.func @transform_1(%arg0: i32) -> (i32, i32) {
    %c0_i32 = arith.constant 0 : i32
    %c0_i32_0 = arith.constant 0 : i32
    %c0_i32_1 = arith.constant 0 : i32
    return %c0_i32, %c0_i32_0 : i32, i32
  }
  func.func @transform_2(%arg0: i32) -> (i32, i32) {
    %c0_i32 = arith.constant 0 : i32
    %c0_i32_0 = arith.constant 0 : i32
    %c0_i32_1 = arith.constant 0 : i32
    return %c0_i32, %c0_i32_0 : i32, i32
  }
  func.func @transform_3(%arg0: i32) -> (i32, i32) {
    %c0_i32 = arith.constant 0 : i32
    %c0_i32_0 = arith.constant 0 : i32
    %c0_i32_1 = arith.constant 0 : i32
    return %c0_i32, %c0_i32_0 : i32, i32
  }
  func.func @transform_4(%arg0: i32) -> (i32, i32) {
    %c0_i32 = arith.constant 0 : i32
    %c0_i32_0 = arith.constant 0 : i32
    %c0_i32_1 = arith.constant 0 : i32
    return %c0_i32, %c0_i32_0 : i32, i32
  }
  func.func @transform_5(%arg0: i32) -> (i32, i32) {
    %c0_i32 = arith.constant 0 : i32
    %c0_i32_0 = arith.constant 0 : i32
    return %arg0, %c0_i32 : i32, i32
  }
}

module attributes {stable_mosaic.version = 14 : i64} {
  func.func @_sims_tau_body(%arg0: i32, %arg1: memref<10000x256xf32, #tpu.memory_space<vmem>>, %arg2: memref<2048000xf32, #tpu.memory_space<vmem>>, %arg3: memref<200x1xf32, #tpu.memory_space<vmem>>) attributes {dimension_semantics = [#tpu.dimension_semantics<arbitrary>], iteration_bounds = array<i64: 50>, scalar_prefetch = 0 : i64, scratch_operands = 0 : i64, tpu.core_type = #tpu.core_type<tc>, window_params = [{pipeline_mode = #tpu.pipeline_mode<synchronous>, transform_indices = @transform_0, window_bounds = array<i64: 10000, 256>}, {transform_indices = @transform_1, window_bounds = array<i64: 2048000>}, {transform_indices = @transform_2, window_bounds = array<i64: 200, 1>}]} {
    %mul3A = arith.constant 200 : i32
    %mul3A_0 = arith.muli %arg0, %mul3A : i32
    %add3A = arith.constant 0 : i32
    %add3A_1 = arith.addi %add3A, %mul3A_0 : i32
    %get3A = arith.index_cast %add3A_1 : i32 to index
    %get3A_2 = arith.constant 0 : index
    %get3A_3 = vector.load %arg1[%get3A, %get3A_2] : memref<10000x256xf32, #tpu.memory_space<vmem>>, vector<200x256xf32>
    %get3A_4 = arith.constant 0 : index
    %get3A_5 = arith.constant 0 : index
    %get3A_6 = vector.load %arg1[%get3A_4, %get3A_5] : memref<10000x256xf32, #tpu.memory_space<vmem>>, vector<10000x256xf32>
    %dot_general3A = arith.constant dense<0.000000e+00> : vector<200x10000xf32>
    %dot_general3A_7 = tpu.matmul %get3A_3, %get3A_6, %dot_general3A {dimension_numbers = #tpu.dot_dimension_numbers<[1], [1], [0], [0], [0, 0, 1, 0], [], []>, transpose_lhs_hint = false} : vector<200x256xf32>, vector<10000x256xf32>, vector<200x10000xf32> -> vector<200x10000xf32>
    %broadcast_in_dim3A = arith.constant -3.000000e+00 : f32
    %broadcast_in_dim3A_8 = vector.broadcast %broadcast_in_dim3A : f32 to vector<200x240xf32>
    %concatenate3A = tpu.concatenate %dot_general3A_7, %broadcast_in_dim3A_8 in 1 : vector<200x10000xf32>, vector<200x240xf32> -> vector<200x10240xf32>
    %reshape3A = vector.shape_cast %concatenate3A : vector<200x10240xf32> to vector<2048000xf32>
    %swap3A = arith.constant 0 : index
    %swap3A_9 = vector.load %arg2[%swap3A] : memref<2048000xf32, #tpu.memory_space<vmem>>, vector<2048000xf32>
    tpu.vector_store %arg2[%swap3A], %reshape3A {strides = array<i32>} : memref<2048000xf32, #tpu.memory_space<vmem>>, vector<2048000xf32>,
    %slice3A = vector.extract_strided_slice %concatenate3A {offsets = [0, 0], sizes = [200, 5120], strides = [1, 1]} : vector<200x10240xf32> to vector<200x5120xf32>
    %slice3A_10 = vector.extract_strided_slice %concatenate3A {offsets = [0, 5120], sizes = [200, 5120], strides = [1, 1]} : vector<200x10240xf32> to vector<200x5120xf32>
    %max3A = arith.maximumf %slice3A, %slice3A_10 : vector<200x5120xf32>
    %slice3A_11 = vector.extract_strided_slice %max3A {offsets = [0, 0], sizes = [200, 2560], strides = [1, 1]} : vector<200x5120xf32> to vector<200x2560xf32>
    %slice3A_12 = vector.extract_strided_slice %max3A {offsets = [0, 2560], sizes = [200, 2560], strides = [1, 1]} : vector<200x5120xf32> to vector<200x2560xf32>
    %max3A_13 = arith.maximumf %slice3A_11, %slice3A_12 : vector<200x2560xf32>
    %slice3A_14 = vector.extract_strided_slice %max3A_13 {offsets = [0, 0], sizes = [200, 1280], strides = [1, 1]} : vector<200x2560xf32> to vector<200x1280xf32>
    %slice3A_15 = vector.extract_strided_slice %max3A_13 {offsets = [0, 1280], sizes = [200, 1280], strides = [1, 1]} : vector<200x2560xf32> to vector<200x1280xf32>
    %max3A_16 = arith.maximumf %slice3A_14, %slice3A_15 : vector<200x1280xf32>
    %slice3A_17 = vector.extract_strided_slice %max3A_16 {offsets = [0, 0], sizes = [200, 640], strides = [1, 1]} : vector<200x1280xf32> to vector<200x640xf32>
    %slice3A_18 = vector.extract_strided_slice %max3A_16 {offsets = [0, 640], sizes = [200, 640], strides = [1, 1]} : vector<200x1280xf32> to vector<200x640xf32>
    %max3A_19 = arith.maximumf %slice3A_17, %slice3A_18 : vector<200x640xf32>
    %reduce_max3A = arith.constant dense<0xFF800000> : vector<200xf32>
    %reduce_max3A_20 = vector.multi_reduction <maximumf>, %max3A_19, %reduce_max3A [1] : vector<200x640xf32> to vector<200xf32>
    %broadcast_in_dim3A_21 = vector.shape_cast %reduce_max3A_20 : vector<200xf32> to vector<200x1xf32>
    %eq3A = vector.broadcast %broadcast_in_dim3A_21 : vector<200x1xf32> to vector<200x640xf32>
    %eq3A_22 = arith.cmpf oeq, %max3A_19, %eq3A : vector<200x640xf32>
    %jit3A = arith.constant -3.000000e+00 : f32
    %broadcast_in_dim3A_23 = vector.broadcast %jit3A : f32 to vector<200x640xf32>
    %select_n3A = arith.select %eq3A_22, %broadcast_in_dim3A_23, %max3A_19 : vector<200x640xi1>, vector<200x640xf32>
    %reduce_max3A_24 = arith.constant dense<0xFF800000> : vector<200xf32>
    %reduce_max3A_25 = vector.multi_reduction <maximumf>, %select_n3A, %reduce_max3A_24 [1] : vector<200x640xf32> to vector<200xf32>
    %broadcast_in_dim3A_26 = vector.shape_cast %reduce_max3A_25 : vector<200xf32> to vector<200x1xf32>
    %eq3A_27 = vector.broadcast %broadcast_in_dim3A_26 : vector<200x1xf32> to vector<200x640xf32>
    %eq3A_28 = arith.cmpf oeq, %select_n3A, %eq3A_27 : vector<200x640xf32>
    %jit3A_29 = arith.constant -3.000000e+00 : f32
    %broadcast_in_dim3A_30 = vector.broadcast %jit3A_29 : f32 to vector<200x640xf32>
    %select_n3A_31 = arith.select %eq3A_28, %broadcast_in_dim3A_30, %select_n3A : vector<200x640xi1>, vector<200x640xf32>
    %reduce_max3A_32 = arith.constant dense<0xFF800000> : vector<200xf32>
    %reduce_max3A_33 = vector.multi_reduction <maximumf>, %select_n3A_31, %reduce_max3A_32 [1] : vector<200x640xf32> to vector<200xf32>
    %broadcast_in_dim3A_34 = vector.shape_cast %reduce_max3A_33 : vector<200xf32> to vector<200x1xf32>
    %eq3A_35 = vector.broadcast %broadcast_in_dim3A_34 : vector<200x1xf32> to vector<200x640xf32>
    %eq3A_36 = arith.cmpf oeq, %select_n3A_31, %eq3A_35 : vector<200x640xf32>
    %jit3A_37 = arith.constant -3.000000e+00 : f32
    %broadcast_in_dim3A_38 = vector.broadcast %jit3A_37 : f32 to vector<200x640xf32>
    %select_n3A_39 = arith.select %eq3A_36, %broadcast_in_dim3A_38, %select_n3A_31 : vector<200x640xi1>, vector<200x640xf32>
    %reduce_max3A_40 = arith.constant dense<0xFF800000> : vector<200xf32>
    %reduce_max3A_41 = vector.multi_reduction <maximumf>, %select_n3A_39, %reduce_max3A_40 [1] : vector<200x640xf32> to vector<200xf32>
    %broadcast_in_dim3A_42 = vector.shape_cast %reduce_max3A_41 : vector<200xf32> to vector<200x1xf32>
    %eq3A_43 = vector.broadcast %broadcast_in_dim3A_42 : vector<200x1xf32> to vector<200x640xf32>
    %eq3A_44 = arith.cmpf oeq, %select_n3A_39, %eq3A_43 : vector<200x640xf32>
    %jit3A_45 = arith.constant -3.000000e+00 : f32
    %broadcast_in_dim3A_46 = vector.broadcast %jit3A_45 : f32 to vector<200x640xf32>
    %select_n3A_47 = arith.select %eq3A_44, %broadcast_in_dim3A_46, %select_n3A_39 : vector<200x640xi1>, vector<200x640xf32>
    %reduce_max3A_48 = arith.constant dense<0xFF800000> : vector<200xf32>
    %reduce_max3A_49 = vector.multi_reduction <maximumf>, %select_n3A_47, %reduce_max3A_48 [1] : vector<200x640xf32> to vector<200xf32>
    %broadcast_in_dim3A_50 = vector.shape_cast %reduce_max3A_49 : vector<200xf32> to vector<200x1xf32>
    %eq3A_51 = vector.broadcast %broadcast_in_dim3A_50 : vector<200x1xf32> to vector<200x640xf32>
    %eq3A_52 = arith.cmpf oeq, %select_n3A_47, %eq3A_51 : vector<200x640xf32>
    %jit3A_53 = arith.constant -3.000000e+00 : f32
    %broadcast_in_dim3A_54 = vector.broadcast %jit3A_53 : f32 to vector<200x640xf32>
    %select_n3A_55 = arith.select %eq3A_52, %broadcast_in_dim3A_54, %select_n3A_47 : vector<200x640xi1>, vector<200x640xf32>
    %reduce_max3A_56 = arith.constant dense<0xFF800000> : vector<200xf32>
    %reduce_max3A_57 = vector.multi_reduction <maximumf>, %select_n3A_55, %reduce_max3A_56 [1] : vector<200x640xf32> to vector<200xf32>
    %broadcast_in_dim3A_58 = vector.shape_cast %reduce_max3A_57 : vector<200xf32> to vector<200x1xf32>
    %eq3A_59 = vector.broadcast %broadcast_in_dim3A_58 : vector<200x1xf32> to vector<200x640xf32>
    %eq3A_60 = arith.cmpf oeq, %select_n3A_55, %eq3A_59 : vector<200x640xf32>
    %jit3A_61 = arith.constant -3.000000e+00 : f32
    %broadcast_in_dim3A_62 = vector.broadcast %jit3A_61 : f32 to vector<200x640xf32>
    %select_n3A_63 = arith.select %eq3A_60, %broadcast_in_dim3A_62, %select_n3A_55 : vector<200x640xi1>, vector<200x640xf32>
    %reduce_max3A_64 = arith.constant dense<0xFF800000> : vector<200xf32>
    %reduce_max3A_65 = vector.multi_reduction <maximumf>, %select_n3A_63, %reduce_max3A_64 [1] : vector<200x640xf32> to vector<200xf32>
    %broadcast_in_dim3A_66 = vector.shape_cast %reduce_max3A_65 : vector<200xf32> to vector<200x1xf32>
    %eq3A_67 = vector.broadcast %broadcast_in_dim3A_66 : vector<200x1xf32> to vector<200x640xf32>
    %eq3A_68 = arith.cmpf oeq, %select_n3A_63, %eq3A_67 : vector<200x640xf32>
    %jit3A_69 = arith.constant -3.000000e+00 : f32
    %broadcast_in_dim3A_70 = vector.broadcast %jit3A_69 : f32 to vector<200x640xf32>
    %select_n3A_71 = arith.select %eq3A_68, %broadcast_in_dim3A_70, %select_n3A_63 : vector<200x640xi1>, vector<200x640xf32>
    %reduce_max3A_72 = arith.constant dense<0xFF800000> : vector<200xf32>
    %reduce_max3A_73 = vector.multi_reduction <maximumf>, %select_n3A_71, %reduce_max3A_72 [1] : vector<200x640xf32> to vector<200xf32>
    %broadcast_in_dim3A_74 = vector.shape_cast %reduce_max3A_73 : vector<200xf32> to vector<200x1xf32>
    %eq3A_75 = vector.broadcast %broadcast_in_dim3A_74 : vector<200x1xf32> to vector<200x640xf32>
    %eq3A_76 = arith.cmpf oeq, %select_n3A_71, %eq3A_75 : vector<200x640xf32>
    %jit3A_77 = arith.constant -3.000000e+00 : f32
    %broadcast_in_dim3A_78 = vector.broadcast %jit3A_77 : f32 to vector<200x640xf32>
    %select_n3A_79 = arith.select %eq3A_76, %broadcast_in_dim3A_78, %select_n3A_71 : vector<200x640xi1>, vector<200x640xf32>
    %reduce_max3A_80 = arith.constant dense<0xFF800000> : vector<200xf32>
    %reduce_max3A_81 = vector.multi_reduction <maximumf>, %select_n3A_79, %reduce_max3A_80 [1] : vector<200x640xf32> to vector<200xf32>
    %broadcast_in_dim3A_82 = vector.shape_cast %reduce_max3A_81 : vector<200xf32> to vector<200x1xf32>
    %eq3A_83 = vector.broadcast %broadcast_in_dim3A_82 : vector<200x1xf32> to vector<200x640xf32>
    %eq3A_84 = arith.cmpf oeq, %select_n3A_79, %eq3A_83 : vector<200x640xf32>
    %jit3A_85 = arith.constant -3.000000e+00 : f32
    %broadcast_in_dim3A_86 = vector.broadcast %jit3A_85 : f32 to vector<200x640xf32>
    %select_n3A_87 = arith.select %eq3A_84, %broadcast_in_dim3A_86, %select_n3A_79 : vector<200x640xi1>, vector<200x640xf32>
    %reduce_max3A_88 = arith.constant dense<0xFF800000> : vector<200xf32>
    %reduce_max3A_89 = vector.multi_reduction <maximumf>, %select_n3A_87, %reduce_max3A_88 [1] : vector<200x640xf32> to vector<200xf32>
    %broadcast_in_dim3A_90 = vector.shape_cast %reduce_max3A_89 : vector<200xf32> to vector<200x1xf32>
    %eq3A_91 = vector.broadcast %broadcast_in_dim3A_90 : vector<200x1xf32> to vector<200x640xf32>
    %eq3A_92 = arith.cmpf oeq, %select_n3A_87, %eq3A_91 : vector<200x640xf32>
    %jit3A_93 = arith.constant -3.000000e+00 : f32
    %broadcast_in_dim3A_94 = vector.broadcast %jit3A_93 : f32 to vector<200x640xf32>
    %select_n3A_95 = arith.select %eq3A_92, %broadcast_in_dim3A_94, %select_n3A_87 : vector<200x640xi1>, vector<200x640xf32>
    %reduce_max3A_96 = arith.constant dense<0xFF800000> : vector<200xf32>
    %reduce_max3A_97 = vector.multi_reduction <maximumf>, %select_n3A_95, %reduce_max3A_96 [1] : vector<200x640xf32> to vector<200xf32>
    %broadcast_in_dim3A_98 = vector.shape_cast %reduce_max3A_97 : vector<200xf32> to vector<200x1xf32>
    %eq3A_99 = vector.broadcast %broadcast_in_dim3A_98 : vector<200x1xf32> to vector<200x640xf32>
    %eq3A_100 = arith.cmpf oeq, %select_n3A_95, %eq3A_99 : vector<200x640xf32>
    %jit3A_101 = arith.constant -3.000000e+00 : f32
    %broadcast_in_dim3A_102 = vector.broadcast %jit3A_101 : f32 to vector<200x640xf32>
    %select_n3A_103 = arith.select %eq3A_100, %broadcast_in_dim3A_102, %select_n3A_95 : vector<200x640xi1>, vector<200x640xf32>
    %reduce_max3A_104 = arith.constant dense<0xFF800000> : vector<200xf32>
    %reduce_max3A_105 = vector.multi_reduction <maximumf>, %select_n3A_103, %reduce_max3A_104 [1] : vector<200x640xf32> to vector<200xf32>
    %broadcast_in_dim3A_106 = vector.shape_cast %reduce_max3A_105 : vector<200xf32> to vector<200x1xf32>
    %eq3A_107 = vector.broadcast %broadcast_in_dim3A_106 : vector<200x1xf32> to vector<200x640xf32>
    %eq3A_108 = arith.cmpf oeq, %select_n3A_103, %eq3A_107 : vector<200x640xf32>
    %jit3A_109 = arith.constant -3.000000e+00 : f32
    %broadcast_in_dim3A_110 = vector.broadcast %jit3A_109 : f32 to vector<200x640xf32>
    %select_n3A_111 = arith.select %eq3A_108, %broadcast_in_dim3A_110, %select_n3A_103 : vector<200x640xi1>, vector<200x640xf32>
    %reduce_max3A_112 = arith.constant dense<0xFF800000> : vector<200xf32>
    %reduce_max3A_113 = vector.multi_reduction <maximumf>, %select_n3A_111, %reduce_max3A_112 [1] : vector<200x640xf32> to vector<200xf32>
    %broadcast_in_dim3A_114 = vector.shape_cast %reduce_max3A_113 : vector<200xf32> to vector<200x1xf32>
    %eq3A_115 = vector.broadcast %broadcast_in_dim3A_114 : vector<200x1xf32> to vector<200x640xf32>
    %eq3A_116 = arith.cmpf oeq, %select_n3A_111, %eq3A_115 : vector<200x640xf32>
    %jit3A_117 = arith.constant -3.000000e+00 : f32
    %broadcast_in_dim3A_118 = vector.broadcast %jit3A_117 : f32 to vector<200x640xf32>
    %select_n3A_119 = arith.select %eq3A_116, %broadcast_in_dim3A_118, %select_n3A_111 : vector<200x640xi1>, vector<200x640xf32>
    %reduce_max3A_120 = arith.constant dense<0xFF800000> : vector<200xf32>
    %reduce_max3A_121 = vector.multi_reduction <maximumf>, %select_n3A_119, %reduce_max3A_120 [1] : vector<200x640xf32> to vector<200xf32>
    %broadcast_in_dim3A_122 = vector.shape_cast %reduce_max3A_121 : vector<200xf32> to vector<200x1xf32>
    %eq3A_123 = vector.broadcast %broadcast_in_dim3A_122 : vector<200x1xf32> to vector<200x640xf32>
    %eq3A_124 = arith.cmpf oeq, %select_n3A_119, %eq3A_123 : vector<200x640xf32>
    %jit3A_125 = arith.constant -3.000000e+00 : f32
    %broadcast_in_dim3A_126 = vector.broadcast %jit3A_125 : f32 to vector<200x640xf32>
    %select_n3A_127 = arith.select %eq3A_124, %broadcast_in_dim3A_126, %select_n3A_119 : vector<200x640xi1>, vector<200x640xf32>
    %reduce_max3A_128 = arith.constant dense<0xFF800000> : vector<200xf32>
    %reduce_max3A_129 = vector.multi_reduction <maximumf>, %select_n3A_127, %reduce_max3A_128 [1] : vector<200x640xf32> to vector<200xf32>
    %broadcast_in_dim3A_130 = vector.shape_cast %reduce_max3A_129 : vector<200xf32> to vector<200x1xf32>
    %eq3A_131 = vector.broadcast %broadcast_in_dim3A_130 : vector<200x1xf32> to vector<200x640xf32>
    %eq3A_132 = arith.cmpf oeq, %select_n3A_127, %eq3A_131 : vector<200x640xf32>
    %jit3A_133 = arith.constant -3.000000e+00 : f32
    %broadcast_in_dim3A_134 = vector.broadcast %jit3A_133 : f32 to vector<200x640xf32>
    %select_n3A_135 = arith.select %eq3A_132, %broadcast_in_dim3A_134, %select_n3A_127 : vector<200x640xi1>, vector<200x640xf32>
    %reduce_max3A_136 = arith.constant dense<0xFF800000> : vector<200xf32>
    %reduce_max3A_137 = vector.multi_reduction <maximumf>, %select_n3A_135, %reduce_max3A_136 [1] : vector<200x640xf32> to vector<200xf32>
    %broadcast_in_dim3A_138 = vector.shape_cast %reduce_max3A_137 : vector<200xf32> to vector<200x1xf32>
    %eq3A_139 = vector.broadcast %broadcast_in_dim3A_138 : vector<200x1xf32> to vector<200x640xf32>
    %eq3A_140 = arith.cmpf oeq, %select_n3A_135, %eq3A_139 : vector<200x640xf32>
    %jit3A_141 = arith.constant -3.000000e+00 : f32
    %broadcast_in_dim3A_142 = vector.broadcast %jit3A_141 : f32 to vector<200x640xf32>
    %select_n3A_143 = arith.select %eq3A_140, %broadcast_in_dim3A_142, %select_n3A_135 : vector<200x640xi1>, vector<200x640xf32>
    %reduce_max3A_144 = arith.constant dense<0xFF800000> : vector<200xf32>
    %reduce_max3A_145 = vector.multi_reduction <maximumf>, %select_n3A_143, %reduce_max3A_144 [1] : vector<200x640xf32> to vector<200xf32>
    %broadcast_in_dim3A_146 = vector.shape_cast %reduce_max3A_145 : vector<200xf32> to vector<200x1xf32>
    %eq3A_147 = vector.broadcast %broadcast_in_dim3A_146 : vector<200x1xf32> to vector<200x640xf32>
    %eq3A_148 = arith.cmpf oeq, %select_n3A_143, %eq3A_147 : vector<200x640xf32>
    %jit3A_149 = arith.constant -3.000000e+00 : f32
    %broadcast_in_dim3A_150 = vector.broadcast %jit3A_149 : f32 to vector<200x640xf32>
    %select_n3A_151 = arith.select %eq3A_148, %broadcast_in_dim3A_150, %select_n3A_143 : vector<200x640xi1>, vector<200x640xf32>
    %reduce_max3A_152 = arith.constant dense<0xFF800000> : vector<200xf32>
    %reduce_max3A_153 = vector.multi_reduction <maximumf>, %select_n3A_151, %reduce_max3A_152 [1] : vector<200x640xf32> to vector<200xf32>
    %broadcast_in_dim3A_154 = vector.shape_cast %reduce_max3A_153 : vector<200xf32> to vector<200x1xf32>
    %eq3A_155 = vector.broadcast %broadcast_in_dim3A_154 : vector<200x1xf32> to vector<200x640xf32>
    %eq3A_156 = arith.cmpf oeq, %select_n3A_151, %eq3A_155 : vector<200x640xf32>
    %jit3A_157 = arith.constant -3.000000e+00 : f32
    %broadcast_in_dim3A_158 = vector.broadcast %jit3A_157 : f32 to vector<200x640xf32>
    %select_n3A_159 = arith.select %eq3A_156, %broadcast_in_dim3A_158, %select_n3A_151 : vector<200x640xi1>, vector<200x640xf32>
    %reduce_max3A_160 = arith.constant dense<0xFF800000> : vector<200xf32>
    %reduce_max3A_161 = vector.multi_reduction <maximumf>, %select_n3A_159, %reduce_max3A_160 [1] : vector<200x640xf32> to vector<200xf32>
    %broadcast_in_dim3A_162 = vector.shape_cast %reduce_max3A_161 : vector<200xf32> to vector<200x1xf32>
    %eq3A_163 = vector.broadcast %broadcast_in_dim3A_162 : vector<200x1xf32> to vector<200x640xf32>
    %eq3A_164 = arith.cmpf oeq, %select_n3A_159, %eq3A_163 : vector<200x640xf32>
    %jit3A_165 = arith.constant -3.000000e+00 : f32
    %broadcast_in_dim3A_166 = vector.broadcast %jit3A_165 : f32 to vector<200x640xf32>
    %select_n3A_167 = arith.select %eq3A_164, %broadcast_in_dim3A_166, %select_n3A_159 : vector<200x640xi1>, vector<200x640xf32>
    %reduce_max3A_168 = arith.constant dense<0xFF800000> : vector<200xf32>
    %reduce_max3A_169 = vector.multi_reduction <maximumf>, %select_n3A_167, %reduce_max3A_168 [1] : vector<200x640xf32> to vector<200xf32>
    %broadcast_in_dim3A_170 = vector.shape_cast %reduce_max3A_169 : vector<200xf32> to vector<200x1xf32>
    %eq3A_171 = vector.broadcast %broadcast_in_dim3A_170 : vector<200x1xf32> to vector<200x640xf32>
    %eq3A_172 = arith.cmpf oeq, %select_n3A_167, %eq3A_171 : vector<200x640xf32>
    %jit3A_173 = arith.constant -3.000000e+00 : f32
    %broadcast_in_dim3A_174 = vector.broadcast %jit3A_173 : f32 to vector<200x640xf32>
    %select_n3A_175 = arith.select %eq3A_172, %broadcast_in_dim3A_174, %select_n3A_167 : vector<200x640xi1>, vector<200x640xf32>
    %reduce_max3A_176 = arith.constant dense<0xFF800000> : vector<200xf32>
    %reduce_max3A_177 = vector.multi_reduction <maximumf>, %select_n3A_175, %reduce_max3A_176 [1] : vector<200x640xf32> to vector<200xf32>
    %broadcast_in_dim3A_178 = vector.shape_cast %reduce_max3A_177 : vector<200xf32> to vector<200x1xf32>
    %eq3A_179 = vector.broadcast %broadcast_in_dim3A_178 : vector<200x1xf32> to vector<200x640xf32>
    %eq3A_180 = arith.cmpf oeq, %select_n3A_175, %eq3A_179 : vector<200x640xf32>
    %jit3A_181 = arith.constant -3.000000e+00 : f32
    %broadcast_in_dim3A_182 = vector.broadcast %jit3A_181 : f32 to vector<200x640xf32>
    %select_n3A_183 = arith.select %eq3A_180, %broadcast_in_dim3A_182, %select_n3A_175 : vector<200x640xi1>, vector<200x640xf32>
    %reduce_max3A_184 = arith.constant dense<0xFF800000> : vector<200xf32>
    %reduce_max3A_185 = vector.multi_reduction <maximumf>, %select_n3A_183, %reduce_max3A_184 [1] : vector<200x640xf32> to vector<200xf32>
    %broadcast_in_dim3A_186 = vector.shape_cast %reduce_max3A_185 : vector<200xf32> to vector<200x1xf32>
    %eq3A_187 = vector.broadcast %broadcast_in_dim3A_186 : vector<200x1xf32> to vector<200x640xf32>
    %eq3A_188 = arith.cmpf oeq, %select_n3A_183, %eq3A_187 : vector<200x640xf32>
    %jit3A_189 = arith.constant -3.000000e+00 : f32
    %broadcast_in_dim3A_190 = vector.broadcast %jit3A_189 : f32 to vector<200x640xf32>
    %select_n3A_191 = arith.select %eq3A_188, %broadcast_in_dim3A_190, %select_n3A_183 : vector<200x640xi1>, vector<200x640xf32>
    %reduce_max3A_192 = arith.constant dense<0xFF800000> : vector<200xf32>
    %reduce_max3A_193 = vector.multi_reduction <maximumf>, %select_n3A_191, %reduce_max3A_192 [1] : vector<200x640xf32> to vector<200xf32>
    %broadcast_in_dim3A_194 = vector.shape_cast %reduce_max3A_193 : vector<200xf32> to vector<200x1xf32>
    %eq3A_195 = vector.broadcast %broadcast_in_dim3A_194 : vector<200x1xf32> to vector<200x640xf32>
    %eq3A_196 = arith.cmpf oeq, %select_n3A_191, %eq3A_195 : vector<200x640xf32>
    %jit3A_197 = arith.constant -3.000000e+00 : f32
    %broadcast_in_dim3A_198 = vector.broadcast %jit3A_197 : f32 to vector<200x640xf32>
    %select_n3A_199 = arith.select %eq3A_196, %broadcast_in_dim3A_198, %select_n3A_191 : vector<200x640xi1>, vector<200x640xf32>
    %reduce_max3A_200 = arith.constant dense<0xFF800000> : vector<200xf32>
    %reduce_max3A_201 = vector.multi_reduction <maximumf>, %select_n3A_199, %reduce_max3A_200 [1] : vector<200x640xf32> to vector<200xf32>
    %broadcast_in_dim3A_202 = vector.shape_cast %reduce_max3A_201 : vector<200xf32> to vector<200x1xf32>
    %eq3A_203 = vector.broadcast %broadcast_in_dim3A_202 : vector<200x1xf32> to vector<200x640xf32>
    %eq3A_204 = arith.cmpf oeq, %select_n3A_199, %eq3A_203 : vector<200x640xf32>
    %jit3A_205 = arith.constant -3.000000e+00 : f32
    %broadcast_in_dim3A_206 = vector.broadcast %jit3A_205 : f32 to vector<200x640xf32>
    %select_n3A_207 = arith.select %eq3A_204, %broadcast_in_dim3A_206, %select_n3A_199 : vector<200x640xi1>, vector<200x640xf32>
    %reduce_max3A_208 = arith.constant dense<0xFF800000> : vector<200xf32>
    %reduce_max3A_209 = vector.multi_reduction <maximumf>, %select_n3A_207, %reduce_max3A_208 [1] : vector<200x640xf32> to vector<200xf32>
    %broadcast_in_dim3A_210 = vector.shape_cast %reduce_max3A_209 : vector<200xf32> to vector<200x1xf32>
    %eq3A_211 = vector.broadcast %broadcast_in_dim3A_210 : vector<200x1xf32> to vector<200x640xf32>
    %eq3A_212 = arith.cmpf oeq, %select_n3A_207, %eq3A_211 : vector<200x640xf32>
    %jit3A_213 = arith.constant -3.000000e+00 : f32
    %broadcast_in_dim3A_214 = vector.broadcast %jit3A_213 : f32 to vector<200x640xf32>
    %select_n3A_215 = arith.select %eq3A_212, %broadcast_in_dim3A_214, %select_n3A_207 : vector<200x640xi1>, vector<200x640xf32>
    %reduce_max3A_216 = arith.constant dense<0xFF800000> : vector<200xf32>
    %reduce_max3A_217 = vector.multi_reduction <maximumf>, %select_n3A_215, %reduce_max3A_216 [1] : vector<200x640xf32> to vector<200xf32>
    %broadcast_in_dim3A_218 = vector.shape_cast %reduce_max3A_217 : vector<200xf32> to vector<200x1xf32>
    %eq3A_219 = vector.broadcast %broadcast_in_dim3A_218 : vector<200x1xf32> to vector<200x640xf32>
    %eq3A_220 = arith.cmpf oeq, %select_n3A_215, %eq3A_219 : vector<200x640xf32>
    %jit3A_221 = arith.constant -3.000000e+00 : f32
    %broadcast_in_dim3A_222 = vector.broadcast %jit3A_221 : f32 to vector<200x640xf32>
    %select_n3A_223 = arith.select %eq3A_220, %broadcast_in_dim3A_222, %select_n3A_215 : vector<200x640xi1>, vector<200x640xf32>
    %reduce_max3A_224 = arith.constant dense<0xFF800000> : vector<200xf32>
    %reduce_max3A_225 = vector.multi_reduction <maximumf>, %select_n3A_223, %reduce_max3A_224 [1] : vector<200x640xf32> to vector<200xf32>
    %broadcast_in_dim3A_226 = vector.shape_cast %reduce_max3A_225 : vector<200xf32> to vector<200x1xf32>
    %eq3A_227 = vector.broadcast %broadcast_in_dim3A_226 : vector<200x1xf32> to vector<200x640xf32>
    %eq3A_228 = arith.cmpf oeq, %select_n3A_223, %eq3A_227 : vector<200x640xf32>
    %jit3A_229 = arith.constant -3.000000e+00 : f32
    %broadcast_in_dim3A_230 = vector.broadcast %jit3A_229 : f32 to vector<200x640xf32>
    %select_n3A_231 = arith.select %eq3A_228, %broadcast_in_dim3A_230, %select_n3A_223 : vector<200x640xi1>, vector<200x640xf32>
    %reduce_max3A_232 = arith.constant dense<0xFF800000> : vector<200xf32>
    %reduce_max3A_233 = vector.multi_reduction <maximumf>, %select_n3A_231, %reduce_max3A_232 [1] : vector<200x640xf32> to vector<200xf32>
    %broadcast_in_dim3A_234 = vector.shape_cast %reduce_max3A_233 : vector<200xf32> to vector<200x1xf32>
    %eq3A_235 = vector.broadcast %broadcast_in_dim3A_234 : vector<200x1xf32> to vector<200x640xf32>
    %eq3A_236 = arith.cmpf oeq, %select_n3A_231, %eq3A_235 : vector<200x640xf32>
    %jit3A_237 = arith.constant -3.000000e+00 : f32
    %broadcast_in_dim3A_238 = vector.broadcast %jit3A_237 : f32 to vector<200x640xf32>
    %select_n3A_239 = arith.select %eq3A_236, %broadcast_in_dim3A_238, %select_n3A_231 : vector<200x640xi1>, vector<200x640xf32>
    %reduce_max3A_240 = arith.constant dense<0xFF800000> : vector<200xf32>
    %reduce_max3A_241 = vector.multi_reduction <maximumf>, %select_n3A_239, %reduce_max3A_240 [1] : vector<200x640xf32> to vector<200xf32>
    %broadcast_in_dim3A_242 = vector.shape_cast %reduce_max3A_241 : vector<200xf32> to vector<200x1xf32>
    %eq3A_243 = vector.broadcast %broadcast_in_dim3A_242 : vector<200x1xf32> to vector<200x640xf32>
    %eq3A_244 = arith.cmpf oeq, %select_n3A_239, %eq3A_243 : vector<200x640xf32>
    %jit3A_245 = arith.constant -3.000000e+00 : f32
    %broadcast_in_dim3A_246 = vector.broadcast %jit3A_245 : f32 to vector<200x640xf32>
    %select_n3A_247 = arith.select %eq3A_244, %broadcast_in_dim3A_246, %select_n3A_239 : vector<200x640xi1>, vector<200x640xf32>
    %reduce_max3A_248 = arith.constant dense<0xFF800000> : vector<200xf32>
    %reduce_max3A_249 = vector.multi_reduction <maximumf>, %select_n3A_247, %reduce_max3A_248 [1] : vector<200x640xf32> to vector<200xf32>
    %broadcast_in_dim3A_250 = vector.shape_cast %reduce_max3A_249 : vector<200xf32> to vector<200x1xf32>
    %eq3A_251 = vector.broadcast %broadcast_in_dim3A_250 : vector<200x1xf32> to vector<200x640xf32>
    %eq3A_252 = arith.cmpf oeq, %select_n3A_247, %eq3A_251 : vector<200x640xf32>
    %jit3A_253 = arith.constant -3.000000e+00 : f32
    %broadcast_in_dim3A_254 = vector.broadcast %jit3A_253 : f32 to vector<200x640xf32>
    %select_n3A_255 = arith.select %eq3A_252, %broadcast_in_dim3A_254, %select_n3A_247 : vector<200x640xi1>, vector<200x640xf32>
    %reduce_max3A_256 = arith.constant dense<0xFF800000> : vector<200xf32>
    %reduce_max3A_257 = vector.multi_reduction <maximumf>, %select_n3A_255, %reduce_max3A_256 [1] : vector<200x640xf32> to vector<200xf32>
    %broadcast_in_dim3A_258 = vector.shape_cast %reduce_max3A_257 : vector<200xf32> to vector<200x1xf32>
    %eq3A_259 = vector.broadcast %broadcast_in_dim3A_258 : vector<200x1xf32> to vector<200x640xf32>
    %eq3A_260 = arith.cmpf oeq, %select_n3A_255, %eq3A_259 : vector<200x640xf32>
    %jit3A_261 = arith.constant -3.000000e+00 : f32
    %broadcast_in_dim3A_262 = vector.broadcast %jit3A_261 : f32 to vector<200x640xf32>
    %select_n3A_263 = arith.select %eq3A_260, %broadcast_in_dim3A_262, %select_n3A_255 : vector<200x640xi1>, vector<200x640xf32>
    %reduce_max3A_264 = arith.constant dense<0xFF800000> : vector<200xf32>
    %reduce_max3A_265 = vector.multi_reduction <maximumf>, %select_n3A_263, %reduce_max3A_264 [1] : vector<200x640xf32> to vector<200xf32>
    %broadcast_in_dim3A_266 = vector.shape_cast %reduce_max3A_265 : vector<200xf32> to vector<200x1xf32>
    %eq3A_267 = vector.broadcast %broadcast_in_dim3A_266 : vector<200x1xf32> to vector<200x640xf32>
    %eq3A_268 = arith.cmpf oeq, %select_n3A_263, %eq3A_267 : vector<200x640xf32>
    %jit3A_269 = arith.constant -3.000000e+00 : f32
    %broadcast_in_dim3A_270 = vector.broadcast %jit3A_269 : f32 to vector<200x640xf32>
    %select_n3A_271 = arith.select %eq3A_268, %broadcast_in_dim3A_270, %select_n3A_263 : vector<200x640xi1>, vector<200x640xf32>
    %reduce_max3A_272 = arith.constant dense<0xFF800000> : vector<200xf32>
    %reduce_max3A_273 = vector.multi_reduction <maximumf>, %select_n3A_271, %reduce_max3A_272 [1] : vector<200x640xf32> to vector<200xf32>
    %broadcast_in_dim3A_274 = vector.shape_cast %reduce_max3A_273 : vector<200xf32> to vector<200x1xf32>
    %swap3A_275 = arith.constant 0 : index
    %swap3A_276 = arith.constant 0 : index
    %swap3A_277 = vector.load %arg3[%swap3A_275, %swap3A_276] : memref<200x1xf32, #tpu.memory_space<vmem>>, vector<200x1xf32>
    tpu.vector_store %arg3[%swap3A_275, %swap3A_276], %broadcast_in_dim3A_274 {strides = array<i32>} : memref<200x1xf32, #tpu.memory_space<vmem>>, vector<200x1xf32>,
    return
  }
  func.func @transform_0(%arg0: i32) -> (i32, i32) {
    %c0_i32 = arith.constant 0 : i32
    %c0_i32_0 = arith.constant 0 : i32
    %c0_i32_1 = arith.constant 0 : i32
    return %c0_i32, %c0_i32_0 : i32, i32
  }
  func.func @transform_1(%arg0: i32) -> i32 {
    %c0_i32 = arith.constant 0 : i32
    return %arg0 : i32
  }
  func.func @transform_2(%arg0: i32) -> (i32, i32) {
    %c0_i32 = arith.constant 0 : i32
    %c0_i32_0 = arith.constant 0 : i32
    return %arg0, %c0_i32 : i32, i32
  }
}

</mosaic_0001>

<sc_bundles>
// kernel: gather_offload_async_start
scs
__scs_entry_jumppad:
0x0: {  	(pc) =	sbr.rel $0x88, $3  }
0x1: {  	(tag) =	ssettag $0x0;
	lr =	simm.s32 $0x1  }
0x2: {  	[smem:$0x3F9C] =	sst lr;
	_ =	strace $0xD0000000  }
0x3: {  	_ = 	snop  }
0x4: {  	_ = 	snop  }
0x5: {  	_ = 	snop  }
0x6: {  	_ = 	snop  }
0x7: {  	_ = 	snop  }
__scs_overlays_trampoline_lowered:
0x8: {  	[smem:$0x3FAB] =	sst s0  }
0x9: {  	[smem:$0x3FAC] =	sst s1  }
0xa: {  	[smem:$0x3FAD] =	sst s2  }
0xb: {  	[smem:$0x3FAE] =	sst s3  }
0xc: {  	[smem:$0x3FAF] =	sst s4  }
0xd: {  	[smem:$0x3FB0] =	sst s5  }
0xe: {  	[smem:$0x3FB1] =	sst s6  }
0xf: {  	[smem:$0x3FB2] =	sst s7  }
0x10: {  	[smem:$0x3FB3] =	sst s8  }
0x11: {  	[smem:$0x3FB4] =	sst s9;
	s0 =	simm.s32 @!p0 $0x0  }
0x12: {  	s1 =	sld [smem:$0x3F9A];
	s0 =	simm.s32 @p0 $0x1  }
0x13: {  	[smem:$0x3FB5] =	sst s0;
	s0 =	simm.s32 @!p1 $0x0  }
0x14: {  	s2 =	sld [smem:$0x3F99];
	s0 =	simm.s32 @p1 $0x1  }
0x15: {  	[smem:$0x3FB6] =	sst s0;
	s0 =	simm.s32 @!p2 $0x0  }
0x16: {  	s3 =	sld [smem:$0x3FDB];
	s0 =	simm.s32 @p2 $0x1  }
0x17: {  	s4 =	simm.s32 $0x1BF5;
	[smem:$0x3FB8] =	sst s0  }
0x18: {  	s0 =	sld [smem:$0x3F9B];
	_ =	swait.ge [sflag:s4], $0x0  }
0x19: {  	s7 =	sld [smem:$0x3F9C]  }
0x1a: {  	s8 =	sadd.s32 $0xFFFFE003, lr  }
0x1b: {  	s9 =	sadd.s32 $0xFFFFFEF7, lr;
	s5 =	simm.s32 $0xFFFFFFFF;
	p2 =	slt.u32 s8, $0xFFFFF086  }
0x1c: {  	p1 =	slt.u32 s9, $0xF7A;
	s5 =	simm.s32 @!p2 $0x0  }
0x1d: {  	s5 =	simm.s32 @p1 $0x1;
	p0 =	seq.s32 s7, s2  }
0x1e: {  	s7 =	smul.u32 @!p0 $0xF7A, s2;
	p2 =	seq.s32 @!p0 s5, $0x0  }
0x1f: {  	s9 =	smul.u32 $0xF7A, s1;
	s8 =	simm.s32 @!p0 $0x1BF5;
	p2 =	por !p2, p0  }
0x20: {  	[sflag:s8] =	ssyncset.s32 @!p0 $0xFFFFF086;
	s6 =	sadd.s32 @!p0 s3, s7;
	s7 =	simm.s32 @!p0 $0x108  }
0x21: {  	s3 =	sadd.s32 s3, s9;
	s6 =	sadd.s32 @!p0 $0x88, s6;
	s7 =	simm.s32 @p2 $0x1082  }
0x22: {  	[simem:s7], [sflag:s8] =	dma.local @!p0 [hbm:s6], $0xF7A  }
0x23: {  	s9 =	sor.u32 $0xD0000000, s2;
	s6 =	simm.s32 $0x108;
	_ =	swait.ge @!p0 [sflag:s8], $0x0  }
0x24: {  	s3 =	sadd.s32 $0x88, s3;
	s6 =	simm.s32 @!p1 $0x1082;
	[sflag:s4] =	ssyncset.s32 $0xFFFFF086  }
0x25: {  	[simem:s6], [sflag:s4] =	dma.local [hbm:s3], $0xF7A  }
0x26: {  	[smem:$0x3F9C] =	sst s1;
	(tag) =	ssettag s2;
	_ =	strace s9  }
0x27: {  	s1 =	sld [smem:$0x3FAC]  }
0x28: {  	s2 =	sld [smem:$0x3FAD]  }
0x29: {  	s4 =	sld [smem:$0x3FAF]  }
0x2a: {  	p0 =	seq.s32 s5, $0x0;
	s5 =	sld [smem:$0x3FB0]  }
0x2b: {  	s6 =	sld [smem:$0x3FB1]  }
0x2c: {  	s7 =	sld [smem:$0x3FB2]  }
0x2d: {  	s3 =	simm.s32 $0x108;
	s8 =	sld [smem:$0x3FB3]  }
0x2e: {  	s3 =	simm.s32 @!p0 $0x1082;
	s9 =	sld [smem:$0x3FB4]  }
0x2f: {  	lr =	sadd.s32 s0, s3;
	s0 =	sld [smem:$0x3FAB]  }
0x30: {  	s3 =	sld [smem:$0x3FAE]  }
0x31: {  	[smem:$0x3FB7] =	sst s10  }
0x32: {  	s10 =	sld [smem:$0x3FB5];
	_ =	sdelay $0x3  }
0x33: {  	p0 =	seq.s32 s10, $0x1;
	s10 =	sld [smem:$0x3FB7];
	_ =	sdelay $0x3  }
0x34: {  	[smem:$0x3FB7] =	sst s10  }
0x35: {  	s10 =	sld [smem:$0x3FB6];
	_ =	sdelay $0x3  }
0x36: {  	p1 =	seq.s32 s10, $0x1;
	s10 =	sld [smem:$0x3FB7];
	_ =	sdelay $0x3  }
0x37: {  	[smem:$0x3FB7] =	sst s10  }
0x38: {  	s10 =	sld [smem:$0x3FB8]  }
0x39: {  	_ = 	snop;
	(pc) =	sbr.ind lr, $3  }
0x3a: {  	_ = 	snop  }
0x3b: {  	_ = 	snop  }
0x3c: {  	p2 =	seq.s32 s10, $0x1;
	s10 =	sld [smem:$0x3FB7]  }
0x3d: {  	_ =	shalt  }
0x3e: {  	_ =	shalt  }
0x3f: {  	_ =	shalt  }
0x40: {  	_ =	shalt  }
0x41: {  	_ =	shalt  }
0x42: {  	_ =	shalt  }
0x43: {  	_ =	shalt  }
0x44: {  	_ =	shalt  }
0x45: {  	_ =	shalt  }
0x46: {  	_ =	shalt  }
0x47: {  	_ =	shalt  }
0x48: {  	_ =	shalt  }
0x49: {  	_ =	shalt  }
0x4a: {  	_ =	shalt  }
0x4b: {  	_ =	shalt  }
0x4c: {  	_ =	shalt  }
0x4d: {  	_ =	shalt  }
0x4e: {  	_ =	shalt  }
0x4f: {  	_ =	shalt  }
0x50: {  	_ =	shalt  }
0x51: {  	_ =	shalt  }
0x52: {  	_ =	shalt  }
0x53: {  	_ =	shalt  }
0x54: {  	_ =	shalt  }
0x55: {  	_ =	shalt  }
0x56: {  	_ =	shalt  }
0x57: {  	_ =	shalt  }
0x58: {  	_ =	shalt  }
0x59: {  	_ =	shalt  }
0x5a: {  	_ =	shalt  }
0x5b: {  	_ =	shalt  }
0x5c: {  	_ =	shalt  }
0x5d: {  	_ =	shalt  }
0x5e: {  	_ =	shalt  }
0x5f: {  	_ =	shalt  }
0x60: {  	_ =	shalt  }
0x61: {  	_ =	shalt  }
0x62: {  	_ =	shalt  }
0x63: {  	_ =	shalt  }
0x64: {  	_ =	shalt  }
0x65: {  	_ =	shalt  }
0x66: {  	_ =	shalt  }
0x67: {  	_ =	shalt  }
0x68: {  	_ =	shalt  }
0x69: {  	_ =	shalt  }
0x6a: {  	_ =	shalt  }
0x6b: {  	_ =	shalt  }
0x6c: {  	_ =	shalt  }
0x6d: {  	_ =	shalt  }
0x6e: {  	_ =	shalt  }
0x6f: {  	_ =	shalt  }
0x70: {  	_ =	shalt  }
0x71: {  	_ =	shalt  }
0x72: {  	_ =	shalt  }
0x73: {  	_ =	shalt  }
0x74: {  	_ =	shalt  }
0x75: {  	_ =	shalt  }
0x76: {  	_ =	shalt  }
0x77: {  	_ =	shalt  }
0x78: {  	_ =	shalt  }
0x79: {  	_ =	shalt  }
0x7a: {  	_ =	shalt  }
0x7b: {  	_ =	shalt  }
0x7c: {  	_ =	shalt  }
0x7d: {  	_ =	shalt  }
0x7e: {  	_ =	shalt  }
0x7f: {  	_ =	shalt  }
0x80: {  	_ =	shalt  }
0x81: {  	_ =	shalt  }
0x82: {  	_ =	shalt  }
0x83: {  	_ =	shalt  }
0x84: {  	_ =	shalt  }
0x85: {  	_ =	shalt  }
0x86: {  	_ =	shalt  }
0x87: {  	_ =	shalt  }
.Lfunc_end0:
.L_simem_size_0:
called_computation_lowered:
.L_overlay_start_0:
0x88: {  	s2 =	sld [smem:$0x3FD9]  }
0x89: {  	s3 =	sld [smem:$0x3FFE];
	_ =	sdelay $0x1  }
0x8a: {  	s1 =	srdreg.scid  }
0x8b: {  	s0 =	sand.u32 $0x1, s1  }
0x8c: {  	s14 =	sshll.u32 s0, $0xA;
	s2 =	sadd.s32 s3, s2  }
0x8d: {  	s2 =	sadd.s32 s2, s14  }
0x8e: {  	[smem:$0x3FC3] =	sst s2  }
0x8f: {  	_ = 	snop  }
0x90: {  	s2 =	sld [smem:$0x3FD0];
	_ =	sdelay $0x2  }
0x91: {  	s15 =	simm.s32 $0xA;
	s4 =	simm.s32 $0x10  }
0x92: {  	[smem:s4], [sflag:s15] =	dma.local [hbm:s2], $0x1  }
0x93: {  	_ =	swait.eq [sflag:s15], $0x1  }
0x94: {  	[sflag:s15] =	ssyncset.done $0x0  }
0x95: {  	s16 =	sld [smem:$0x10];
	[sflag:s15] =	ssyncadd.s32 $0xFFFFFFFF  }
0x96: {  	s17 =	sld [smem:$0x11];
	(tm) =	ssettm $0x1  }
0x97: {  	s18 =	sld [smem:$0x3FFB];
	_ =	sdelay $0x3  }
0x98: {  	_ =	strace s18  }
0x99: {  	s4 =	sld [smem:$0x3FFC];
	_ =	sdelay $0x3  }
0x9a: {  	_ =	strace s4  }
0x9b: {  	s4 =	sld [smem:$0x3FFD];
	_ =	sdelay $0x3  }
0x9c: {  	_ =	strace s4  }
0x9d: {  	_ =	strace $0x8FFFFFFF  }
0x9e: {  	s19 =	sld [smem:$0x3FDB];
	_ =	sdelay $0x1  }
0x9f: {  	s5 =	simm.s32 $_scs_section_size  }
0xa0: {  	s6 =	simm.s32 $_size__tile_overlayer_lowered;
	s7 =	simm.s32 $_tile_overlayer_lowered  }
0xa1: {  	s22 =	simm.s32 $0x1BFF;
	s21 =	sshll.u32 s7, $0x1;
	s4 =	sadd.s32 s5, s19  }
0xa2: {  	s8 =	simm.s32 $0x0;
	s20 =	sshll.u32 s6, $0x1;
	s6 =	sadd.s32 s21, s4  }
0xa3: {  	[timem:s8], [sflag:s22] =	dma.local [hbm:s6], s20  }
0xa4: {  	_ =	swait.ge [sflag:s22], s20  }
0xa5: {  	s5 =	ssub.s32 $0x0, s20;
	[sflag:s22] =	ssyncset.done $0x0  }
0xa6: {  	[sflag:s22] =	ssyncadd.s32 s5;
	_ =	sdelay $0x1  }
0xa7: {  	s23 =	simm.s32 $0x1B8B  }
0xa8: {  	_ =	swait.ge [sflag:s23], $0x1  }
0xa9: {  	[sflag:s23] =	ssyncset.done $0x0  }
0xaa: {  	s25 =	simm.s32 $0x1B8E;
	s24 =	sld [smem:$0x3FFE];
	[sflag:s23] =	ssyncadd.s32 $0xFFFFFFFF  }
0xab: {  	s26 =	simm.s32 $execute0_lowered;
	[smem:$0x3FD2] =	sst s25  }
0xac: {  	s6 =	sshll.u32 s26, $0x1;
	_ =	strace $0x80000046;
	[dreg:$0x1] =	wrdreg $0xFFFFFFFF  }
0xad: {  	s28 =	simm.s32 $_size_execute0_lowered;
	s4 =	sadd.s32 s4, s6;
	[dreg:$0x0] =	wrdreg $0x0  }
0xae: {  	s6 =	sshll.u32 s28, $0x1;
	[dreg:$0x2] =	wrdreg s4  }
0xaf: {  	[dreg:$0x3] =	wrdreg s6  }
0xb0: {  	[dreg:$0x4] =	wrdreg $0xC0  }
0xb1: {  	_ =	task [dreg:s8], $0x5FFFF  }
0xb2: {  	[dreg:$0x1] =	wrdreg $0xFFFFFFFF  }
0xb3: {  	[dreg:$0x0] =	wrdreg $0x60  }
0xb4: {  	[dreg:$0x2] =	wrdreg s17  }
0xb5: {  	[dreg:$0x3] =	wrdreg s16  }
0xb6: {  	[dreg:$0x4] =	wrdreg s24  }
0xb7: {  	[dreg:$0x5] =	wrdreg $0x9  }
0xb8: {  	_ =	task.clear_ibuf [dreg:s8], $0x6FFFF;
	_ =	strace $0x90000046  }
0xb9: {  	s29 =	simm.s32 $0x9;
	_ =	strace $0x80000048  }
0xba: {  	_ =	swait.ge [sflag:s29], $0x1  }
0xbb: {  	[sflag:s29] =	ssyncadd.s32 $0xFFFFFFFF  }
0xbc: {  	_ =	strace $0x90000048  }
0xbd: {  	_ =	sfence  }
0xbe: {  	s30 =	sld [smem:$0x0];
	_ =	sdelay $0x2  }
0xbf: {  	s31 =	sshll.u32 s1, $0xD;
	s1 =	sshrl.u32 s1, $0x2  }
0xc0: {  	s3 =	sand.u32 $0x4000, s31;
	s1 =	sadd.s32 s1, s30  }
0xc1: {  	s0 =	sor.u32 s3, s0;
	s1 =	sshll.u32 s1, $0x11  }
0xc2: {  	s0 =	sor.u32 s1, s0  }
0xc3: {  	s0 =	sadd.s32 $0x8F2B, s0  }
0xc4: {  	[sflag:s0] =	ssyncadd.remote.s32 $0x1  }
0xc5: {  	_ =	sfence.sel $0xFFFF  }
0xc6: {  	[dreg:$0x0] =	wrdreg $0xFFFFFFFF;
	(pc) =	sbr.abs _section_cstart, $3  }
0xc7: {  	[dreg:$0x1] =	wrdreg $0xFFFFFFFF  }
0xc8: {  	_ =	task.clear_ibuf [dreg:s8], $0x2FFFF;
	_ =	strace $0x9FFFFFFF  }
0xc9: {  	(tm) =	ssettm $0x7FFFFFFF  }
tec
execute0_lowered:
.L_overlay_start_1:
0x0: {  	(tag) =	ssettag $0x1  }
0x1: {  	s2 =	rddreg [dreg:$0x0]  }
0x2: {  	s1 =	srdreg.scid;
	s3 =	rddreg [dreg:$0x1]  }
0x3: {  	s0 =	stileid.u32;
	s5 =	rddreg [dreg:$0x2]  }
0x4: {  	s9 =	simm.s32 $0x1;
	s10 =	simm.s32 $0x3;
	s1 =	sshll.u32 s1, $0x8  }
0x5: {  	s13 =	simm.s32 $0x0;
	s4 =	sshll.u32 s0, $0x9;
	s6 =	sand.u32 $0x100, s1  }
0x6: {  	s12 =	simm.s32 $0x0;
	s5 =	sadd.s32 $0xC36E00, s5;
	s4 =	sor.u32 s4, s6  }
0x7: {  	s1 =	rddreg [dreg:$0x3];
	_ =	strace $0x80000047;
	s8 =	ssub.s32 $0x2800, s4  }
.Ltmp0:
0x8: {  	s6 =	simm.s32 $0x1;
	s7 =	sand.u32 $0x1F00, s8;
	(pc) =	sbr.rel .LBB2_1-.Ltmp0, $4  }
0x9: {  	[sflag:s6] =	ssyncpa.u1 $0x0;
	s11 =	smov.u32 s4;
	p0 =	sne.s32 s7, $0x0  }
0xa: {  	s8 =	sshrl.u32 s8, $0xD;
	s7 =	simm.s32 $0x2;
	s9 =	simm.s32 @!p0 $0x0  }
0xb: {  	[sflag:s7] =	ssyncpa.u1 $0x0;
	p0 =	por $0x0, $0x0;
	s8 =	sadd.s32 s9, s8  }
0xc: {  	vm0 =	vmmov $0xffff;
	[sflag:s10] =	ssyncpa.u1 $0x0;
	s10 =	simm.s32 $0x0;
	s9 =	sadd.s32 $0x1, s8  }
.LBB2_4:
0xd: {  	v2 =	vnsel vm1, $0x0, v2  }
0xe: {  	vm1 =	vgt.s32 v0, $0x0;
	v2 =	vmin.u32 v2, $0x270F  }
0xf: {  	v0 =	vnsel vm1, $0x0, v0  }
0x10: {  	v0 =	vmin.u32 v0, $0x270F  }
0x11: {  	[tilespmem:s15], [sflag:$0x1] =	stream.indirect_vreg.gather [hbm4b:s2+s10], $0x1, v1, vm0, $0x4038;
	[tilespmem:$0x400] =	vst v63  }
0x12: {  	(ifvalue) =	ssetifvalue $0x7FFFFFFF  }
0x13: {  	[tilespmem:s16], [sflag:$0x1] =	stream.indirect_vreg.gather [hbm4b:s2+s10], $0x1, v2, vm0, $0x4038;
	[tilespmem:$0x400] =	vst v63  }
0x14: {  	s29 =	sadd.s32 $0x10, s16;
	(ifvalue) =	ssetifvalue $0x7FFFFFFF  }
0x15: {  	[tilespmem:s29], [sflag:$0x1] =	stream.indirect_vreg.gather [hbm4b:s2+s10], $0x1, v0, vm0, $0x4038;
	[tilespmem:$0x400] =	vst v63  }
0x16: {  	_ =	swait.ge [sflag:s6], $0x100  }
0x17: {  	s30 =	sshrl.u32 s13, $0x3;
	[sflag:s6] =	ssyncset.done $0x0  }
0x18: {  	s31 =	sand.u32 $0x7, s13;
	s15 =	sadd.s32 s5, s30;
	[sflag:s6] =	ssyncadd.s32 $0xFFFFFF00  }
0x19: {  	[hbm4b:s15+s31] =	stream.linear.scatter [tilespmem:s14], [sflag:$0x3], $0x100, $0x38;
	[tilespmem:$0x400] =	vst v63  }
.LBB2_5:
0x1a: {  	s15 =	sadd.s32 $0x2000, s11  }
0x1b: {  	p2 =	sgt.s32 s15, $0x27FF  }
0x1c: {  	s15 =	smov.u32 @p2 s4;
	p2 =	sne.s32 s12, s9  }
.Ltmp1:
0x1d: {  	p1 =	slt.u32 s12, $0x2;
	(pc) =	sbr.rel @!p2 .LBB2_6-.Ltmp1, $4  }
0x1e: {  	s14 =	simm.s32 @!p1 $0x3  }
0x1f: {  	s16 =	sadd.s32 $0x1, s12;
	_ =	swait.ge @!p1 [sflag:s14], $0x100  }
0x20: {  	s13 =	smov.u32 s11;
	p0 =	por !p0, !p0;
	[sflag:s14] =	ssyncset.done @!p1 $0x0  }
0x21: {  	s12 =	smov.u32 s16;
	s11 =	smov.u32 s15;
	[sflag:s14] =	ssyncadd.s32 @!p1 $0xFFFFFF00  }
.LBB2_1:
0x22: {  	p1 =	sge.u32 s12, s8  }
0x23: {  	s14 =	sxor.u32 @!p1 $0xFFFFFFFF, s12  }
0x24: {  	s31 =	sadd.s32 $0xFFFFFFFF, s12;
	s15 =	sshrl.u32 @!p1 s11, $0x3;
	s14 =	sshll.u32 @!p1 s14, $0x8  }
0x25: {  	s16 =	sand.u32 @!p1 $0x7, s11;
	s15 =	sadd.s32 @!p1 s3, s15;
	s14 =	sand.u32 @!p1 $0x100, s14  }
0x26: {  	[tilespmem:s14], [sflag:$0x2] =	stream.linear.gather @!p1 [hbm4b:s15+s16], $0x100, $0x38;
	[tilespmem:$0x400] =	vst v63  }
0x27: {  	p1 =	sge.u32 s31, s8  }
.Ltmp2:
0x28: {  	_ = 	snop;
	(pc) =	sbr.rel @p1 .LBB2_5-.Ltmp2, $1  }
0x29: {  	_ =	sdelay $0x3  }
0x2a: {  	s14 =	simm.s32 $0x1  }
0x2b: {  	_ =	swait.ge [sflag:s7], $0x100;
	s14 =	simm.s32 @!p0 $0x0  }
0x2c: {  	[sflag:s7] =	ssyncset.done $0x0;
	s14 =	sshll.u32 s14, $0x8  }
0x2d: {  	[sflag:s7] =	ssyncadd.s32 $0xFFFFFF00;
	(ifvalue) =	ssetifvalue $0x7FFFFFFF;
	v0 =	vld.msk [tilespmem:s14+$0x0 ss:$0x1], $0xffff;
	_ =	sdelay $0x4  }
0x2e: {  	s15 =	sadd.s32 $0x10, s14;
	vm1 =	vgt.s32 v0, $0x0  }
0x2f: {  	v2 =	vld.msk [tilespmem:s15+$0x0 ss:$0x1], $0xffff;
	v1 =	vnsel vm1, $0x0, v0  }
0x30: {  	v1 =	vmin.u32 v1, $0x270F;
	_ =	sdelay $0x1  }
0x31: {  	s16 =	sshll.u32 s12, $0x8;
	s18 =	simm.s32 $0x20  }
0x32: {  	s16 =	sand.u32 $0x100, s16;
	s17 =	sadd.s32 $0x10, s15;
	s15 =	sor.u32 $0x200, s14  }
0x33: {  	s14 =	sor.u32 $0x200, s16;
	s16 =	sadd.s32 $0x10, s15;
	v0 =	vld.msk [tilespmem:s17+$0x0 ss:$0x1], $0xffff;
	vm1 =	vgt.s32 v2, $0x0;
	(ifvalue) =	ssetifvalue $0x7FFFFFFF  }
.LBB2_3:
0x34: {  	[tilespmem:s15], [sflag:$0x1] =	stream.indirect_vreg.gather [hbm4b:s2+s10], $0x1, v1, vm0, $0x4038;
	[tilespmem:$0x400] =	vst v63  }
0x35: {  	s18 =	sadd.s32 $0x10, s18  }
0x36: {  	v2 =	vnsel vm1, $0x0, v2;
	p1 =	slt.u32 s18, $0xF0  }
.Ltmp3:
0x37: {  	s15 =	smov.u32 s16;
	v1 =	vmin.u32 v2, $0x270F;
	(pc) =	sbr.rel @p1 .LBB2_3-.Ltmp3, $3  }
0x38: {  	_ =	sdelay $0x1  }
0x39: {  	s17 =	sadd.s32 $0x10, s17  }
0x3a: {  	vm1 =	vgt.s32 v0, $0x0;
	s16 =	sadd.s32 $0x10, s16;
	v2 =	vmov v0;
	(ifvalue) =	ssetifvalue $0x7FFFFFFF;
	v0 =	vld.msk [tilespmem:s17+$0x0 ss:$0x1], $0xffff  }
.Ltmp4:
0x3b: {  	_ = 	snop;
	(pc) =	sbr.rel .LBB2_4-.Ltmp4, $1  }
0x3c: {  	_ =	sdelay $0x3  }
.LBB2_6:
0x3d: {  	_ =	sfence.sel $0x180000  }
0x3e: {  	s2 =	simm.s32 $0x2;
	[bflag:$0x0] =	sbarrier.arrive $0xFFFF  }
0x3f: {  	s30 =	simm.s32 $0x3;
	[sflag:s2] =	ssyncpa.u1 $0x1  }
0x40: {  	s31 =	simm.s32 $0x1;
	[sflag:s30] =	ssyncpa.u1 $0x1  }
0x41: {  	[sflag:s31] =	ssyncpa.u1 $0x1  }
0x42: {  	p0 =	sne.s32 s0, $0x0;
	_ =	strace $0x90000047  }
0x43: {  	s0 =	sadd.s32 @!p0 $0x100000, s1;
	[bflag:$0x2] =	sbarrier.arrive $0xFFFF  }
0x44: {  	[sflag:s0] =	ssyncadd.tile.s32 @!p0 $0x1;
	_ =	shalt  }
.Lfunc_end2:
_tile_overlayer_lowered:
.L_overlay_start_2:
0x45: {  	(tag) =	ssettag $0x2  }
0x46: {  	s0 =	rddreg [dreg:$0x0];
	s2 =	stileid.u32  }
0x47: {  	s1 =	rddreg [dreg:$0x1];
	p0 =	sne.s32 s2, $0x0  }
0x48: {  	s3 =	rddreg [dreg:$0x2];
	[bflag:$0x3] =	sbarrier.arrive $0xFFFF;
	s2 =	simm.s32 @!p0 $0x1C01  }
0x49: {  	[timem:s3], [sflag:s2] =	dma.local @!p0 [hbm:s0], s1  }
0x4a: {  	s0 =	simm.s32 @!p0 $0x1  }
0x4b: {  	_ =	swait.ge @!p0 [sflag:s0], s1  }
0x4c: {  	s1 =	ssub.s32 @!p0 $0x0, s1;
	[sflag:s0] =	ssyncset.done @!p0 $0x0  }
0x4d: {  	[sflag:s0] =	ssyncadd.s32 @!p0 s1  }
0x4e: {  	[bflag:$0x3] =	sbarrier.arrive $0xFFFF  }
0x4f: {  	_ =	shalt  }

// kernel: kernel.5.cloned.1.call-start
scs
__scs_entry_jumppad:
0x0: {  	(pc) =	sbr.rel $0x88, $3  }
0x1: {  	(tag) =	ssettag $0x0;
	lr =	simm.s32 $0x1  }
0x2: {  	[smem:$0x3F9C] =	sst lr;
	_ =	strace $0xD0000000  }
0x3: {  	_ = 	snop  }
0x4: {  	_ = 	snop  }
0x5: {  	_ = 	snop  }
0x6: {  	_ = 	snop  }
0x7: {  	_ = 	snop  }
__scs_overlays_trampoline_lowered:
0x8: {  	[smem:$0x3FAB] =	sst s0  }
0x9: {  	[smem:$0x3FAC] =	sst s1  }
0xa: {  	[smem:$0x3FAD] =	sst s2  }
0xb: {  	[smem:$0x3FAE] =	sst s3  }
0xc: {  	[smem:$0x3FAF] =	sst s4  }
0xd: {  	[smem:$0x3FB0] =	sst s5  }
0xe: {  	[smem:$0x3FB1] =	sst s6  }
0xf: {  	[smem:$0x3FB2] =	sst s7  }
0x10: {  	[smem:$0x3FB3] =	sst s8  }
0x11: {  	[smem:$0x3FB4] =	sst s9;
	s0 =	simm.s32 @!p0 $0x0  }
0x12: {  	s1 =	sld [smem:$0x3F9A];
	s0 =	simm.s32 @p0 $0x1  }
0x13: {  	[smem:$0x3FB5] =	sst s0;
	s0 =	simm.s32 @!p1 $0x0  }
0x14: {  	s2 =	sld [smem:$0x3F99];
	s0 =	simm.s32 @p1 $0x1  }
0x15: {  	[smem:$0x3FB6] =	sst s0;
	s0 =	simm.s32 @!p2 $0x0  }
0x16: {  	s3 =	sld [smem:$0x3FDB];
	s0 =	simm.s32 @p2 $0x1  }
0x17: {  	s4 =	simm.s32 $0x1BF5;
	[smem:$0x3FB8] =	sst s0  }
0x18: {  	s0 =	sld [smem:$0x3F9B];
	_ =	swait.ge [sflag:s4], $0x0  }
0x19: {  	s7 =	sld [smem:$0x3F9C]  }
0x1a: {  	s8 =	sadd.s32 $0xFFFFE003, lr  }
0x1b: {  	s9 =	sadd.s32 $0xFFFFFEF7, lr;
	s5 =	simm.s32 $0xFFFFFFFF;
	p2 =	slt.u32 s8, $0xFFFFF086  }
0x1c: {  	p1 =	slt.u32 s9, $0xF7A;
	s5 =	simm.s32 @!p2 $0x0  }
0x1d: {  	s5 =	simm.s32 @p1 $0x1;
	p0 =	seq.s32 s7, s2  }
0x1e: {  	s7 =	smul.u32 @!p0 $0xF7A, s2;
	p2 =	seq.s32 @!p0 s5, $0x0  }
0x1f: {  	s9 =	smul.u32 $0xF7A, s1;
	s8 =	simm.s32 @!p0 $0x1BF5;
	p2 =	por !p2, p0  }
0x20: {  	[sflag:s8] =	ssyncset.s32 @!p0 $0xFFFFF086;
	s6 =	sadd.s32 @!p0 s3, s7;
	s7 =	simm.s32 @!p0 $0x108  }
0x21: {  	s3 =	sadd.s32 s3, s9;
	s6 =	sadd.s32 @!p0 $0x88, s6;
	s7 =	simm.s32 @p2 $0x1082  }
0x22: {  	[simem:s7], [sflag:s8] =	dma.local @!p0 [hbm:s6], $0xF7A  }
0x23: {  	s9 =	sor.u32 $0xD0000000, s2;
	s6 =	simm.s32 $0x108;
	_ =	swait.ge @!p0 [sflag:s8], $0x0  }
0x24: {  	s3 =	sadd.s32 $0x88, s3;
	s6 =	simm.s32 @!p1 $0x1082;
	[sflag:s4] =	ssyncset.s32 $0xFFFFF086  }
0x25: {  	[simem:s6], [sflag:s4] =	dma.local [hbm:s3], $0xF7A  }
0x26: {  	[smem:$0x3F9C] =	sst s1;
	(tag) =	ssettag s2;
	_ =	strace s9  }
0x27: {  	s1 =	sld [smem:$0x3FAC]  }
0x28: {  	s2 =	sld [smem:$0x3FAD]  }
0x29: {  	s4 =	sld [smem:$0x3FAF]  }
0x2a: {  	p0 =	seq.s32 s5, $0x0;
	s5 =	sld [smem:$0x3FB0]  }
0x2b: {  	s6 =	sld [smem:$0x3FB1]  }
0x2c: {  	s7 =	sld [smem:$0x3FB2]  }
0x2d: {  	s3 =	simm.s32 $0x108;
	s8 =	sld [smem:$0x3FB3]  }
0x2e: {  	s3 =	simm.s32 @!p0 $0x1082;
	s9 =	sld [smem:$0x3FB4]  }
0x2f: {  	lr =	sadd.s32 s0, s3;
	s0 =	sld [smem:$0x3FAB]  }
0x30: {  	s3 =	sld [smem:$0x3FAE]  }
0x31: {  	[smem:$0x3FB7] =	sst s10  }
0x32: {  	s10 =	sld [smem:$0x3FB5];
	_ =	sdelay $0x3  }
0x33: {  	p0 =	seq.s32 s10, $0x1;
	s10 =	sld [smem:$0x3FB7];
	_ =	sdelay $0x3  }
0x34: {  	[smem:$0x3FB7] =	sst s10  }
0x35: {  	s10 =	sld [smem:$0x3FB6];
	_ =	sdelay $0x3  }
0x36: {  	p1 =	seq.s32 s10, $0x1;
	s10 =	sld [smem:$0x3FB7];
	_ =	sdelay $0x3  }
0x37: {  	[smem:$0x3FB7] =	sst s10  }
0x38: {  	s10 =	sld [smem:$0x3FB8]  }
0x39: {  	_ = 	snop;
	(pc) =	sbr.ind lr, $3  }
0x3a: {  	_ = 	snop  }
0x3b: {  	_ = 	snop  }
0x3c: {  	p2 =	seq.s32 s10, $0x1;
	s10 =	sld [smem:$0x3FB7]  }
0x3d: {  	_ =	shalt  }
0x3e: {  	_ =	shalt  }
0x3f: {  	_ =	shalt  }
0x40: {  	_ =	shalt  }
0x41: {  	_ =	shalt  }
0x42: {  	_ =	shalt  }
0x43: {  	_ =	shalt  }
0x44: {  	_ =	shalt  }
0x45: {  	_ =	shalt  }
0x46: {  	_ =	shalt  }
0x47: {  	_ =	shalt  }
0x48: {  	_ =	shalt  }
0x49: {  	_ =	shalt  }
0x4a: {  	_ =	shalt  }
0x4b: {  	_ =	shalt  }
0x4c: {  	_ =	shalt  }
0x4d: {  	_ =	shalt  }
0x4e: {  	_ =	shalt  }
0x4f: {  	_ =	shalt  }
0x50: {  	_ =	shalt  }
0x51: {  	_ =	shalt  }
0x52: {  	_ =	shalt  }
0x53: {  	_ =	shalt  }
0x54: {  	_ =	shalt  }
0x55: {  	_ =	shalt  }
0x56: {  	_ =	shalt  }
0x57: {  	_ =	shalt  }
0x58: {  	_ =	shalt  }
0x59: {  	_ =	shalt  }
0x5a: {  	_ =	shalt  }
0x5b: {  	_ =	shalt  }
0x5c: {  	_ =	shalt  }
0x5d: {  	_ =	shalt  }
0x5e: {  	_ =	shalt  }
0x5f: {  	_ =	shalt  }
0x60: {  	_ =	shalt  }
0x61: {  	_ =	shalt  }
0x62: {  	_ =	shalt  }
0x63: {  	_ =	shalt  }
0x64: {  	_ =	shalt  }
0x65: {  	_ =	shalt  }
0x66: {  	_ =	shalt  }
0x67: {  	_ =	shalt  }
0x68: {  	_ =	shalt  }
0x69: {  	_ =	shalt  }
0x6a: {  	_ =	shalt  }
0x6b: {  	_ =	shalt  }
0x6c: {  	_ =	shalt  }
0x6d: {  	_ =	shalt  }
0x6e: {  	_ =	shalt  }
0x6f: {  	_ =	shalt  }
0x70: {  	_ =	shalt  }
0x71: {  	_ =	shalt  }
0x72: {  	_ =	shalt  }
0x73: {  	_ =	shalt  }
0x74: {  	_ =	shalt  }
0x75: {  	_ =	shalt  }
0x76: {  	_ =	shalt  }
0x77: {  	_ =	shalt  }
0x78: {  	_ =	shalt  }
0x79: {  	_ =	shalt  }
0x7a: {  	_ =	shalt  }
0x7b: {  	_ =	shalt  }
0x7c: {  	_ =	shalt  }
0x7d: {  	_ =	shalt  }
0x7e: {  	_ =	shalt  }
0x7f: {  	_ =	shalt  }
0x80: {  	_ =	shalt  }
0x81: {  	_ =	shalt  }
0x82: {  	_ =	shalt  }
0x83: {  	_ =	shalt  }
0x84: {  	_ =	shalt  }
0x85: {  	_ =	shalt  }
0x86: {  	_ =	shalt  }
0x87: {  	_ =	shalt  }
.Lfunc_end0:
.L_simem_size_0:
called_computation.1_lowered:
.L_overlay_start_0:
0x88: {  	s2 =	sld [smem:$0x3FD9]  }
0x89: {  	s3 =	sld [smem:$0x3FFE];
	_ =	sdelay $0x1  }
0x8a: {  	s1 =	srdreg.scid  }
0x8b: {  	s0 =	sand.u32 $0x1, s1  }
0x8c: {  	s14 =	sshll.u32 s0, $0xA;
	s2 =	sadd.s32 s3, s2  }
0x8d: {  	s2 =	sadd.s32 s2, s14  }
0x8e: {  	[smem:$0x3FC3] =	sst s2  }
0x8f: {  	_ = 	snop  }
0x90: {  	s2 =	sld [smem:$0x3FD0];
	_ =	sdelay $0x2  }
0x91: {  	s15 =	simm.s32 $0xA;
	s4 =	simm.s32 $0x10  }
0x92: {  	[smem:s4], [sflag:s15] =	dma.local [hbm:s2], $0x1  }
0x93: {  	_ =	swait.eq [sflag:s15], $0x1  }
0x94: {  	[sflag:s15] =	ssyncset.done $0x0  }
0x95: {  	s16 =	sld [smem:$0x10];
	[sflag:s15] =	ssyncadd.s32 $0xFFFFFFFF  }
0x96: {  	s17 =	sld [smem:$0x11];
	(tm) =	ssettm $0x1  }
0x97: {  	s18 =	sld [smem:$0x3FFB];
	_ =	sdelay $0x3  }
0x98: {  	_ =	strace s18  }
0x99: {  	s4 =	sld [smem:$0x3FFC];
	_ =	sdelay $0x3  }
0x9a: {  	_ =	strace s4  }
0x9b: {  	s4 =	sld [smem:$0x3FFD];
	_ =	sdelay $0x3  }
0x9c: {  	_ =	strace s4  }
0x9d: {  	_ =	strace $0x8FFFFFFF  }
0x9e: {  	s19 =	sld [smem:$0x3FDB];
	_ =	sdelay $0x1  }
0x9f: {  	s5 =	simm.s32 $_scs_section_size  }
0xa0: {  	s6 =	simm.s32 $_size__tile_overlayer_lowered;
	s7 =	simm.s32 $_tile_overlayer_lowered  }
0xa1: {  	s22 =	simm.s32 $0x1BFF;
	s21 =	sshll.u32 s7, $0x1;
	s4 =	sadd.s32 s5, s19  }
0xa2: {  	s8 =	simm.s32 $0x0;
	s20 =	sshll.u32 s6, $0x1;
	s6 =	sadd.s32 s21, s4  }
0xa3: {  	[timem:s8], [sflag:s22] =	dma.local [hbm:s6], s20  }
0xa4: {  	_ =	swait.ge [sflag:s22], s20  }
0xa5: {  	s5 =	ssub.s32 $0x0, s20;
	[sflag:s22] =	ssyncset.done $0x0  }
0xa6: {  	[sflag:s22] =	ssyncadd.s32 s5;
	_ =	sdelay $0x1  }
0xa7: {  	s23 =	simm.s32 $0x1B8B  }
0xa8: {  	_ =	swait.ge [sflag:s23], $0x1  }
0xa9: {  	[sflag:s23] =	ssyncset.done $0x0  }
0xaa: {  	s25 =	simm.s32 $0x1B8E;
	s24 =	sld [smem:$0x3FFE];
	[sflag:s23] =	ssyncadd.s32 $0xFFFFFFFF  }
0xab: {  	s26 =	simm.s32 $execute0_lowered;
	[smem:$0x3FD2] =	sst s25  }
0xac: {  	s6 =	sshll.u32 s26, $0x1;
	_ =	strace $0x80000049;
	[dreg:$0x1] =	wrdreg $0xFFFFFFFF  }
0xad: {  	s28 =	simm.s32 $_size_execute0_lowered;
	s4 =	sadd.s32 s4, s6;
	[dreg:$0x0] =	wrdreg $0x0  }
0xae: {  	s6 =	sshll.u32 s28, $0x1;
	[dreg:$0x2] =	wrdreg s4  }
0xaf: {  	[dreg:$0x3] =	wrdreg s6  }
0xb0: {  	[dreg:$0x4] =	wrdreg $0xC0  }
0xb1: {  	_ =	task [dreg:s8], $0x5FFFF  }
0xb2: {  	[dreg:$0x1] =	wrdreg $0xFFFFFFFF  }
0xb3: {  	[dreg:$0x0] =	wrdreg $0x60  }
0xb4: {  	[dreg:$0x2] =	wrdreg s24  }
0xb5: {  	[dreg:$0x3] =	wrdreg s17  }
0xb6: {  	[dreg:$0x4] =	wrdreg s16  }
0xb7: {  	[dreg:$0x5] =	wrdreg $0x9  }
0xb8: {  	_ =	task.clear_ibuf [dreg:s8], $0x6FFFF;
	_ =	strace $0x90000049  }
0xb9: {  	s29 =	simm.s32 $0x9;
	_ =	strace $0x8000004B  }
0xba: {  	_ =	swait.ge [sflag:s29], $0x1  }
0xbb: {  	[sflag:s29] =	ssyncadd.s32 $0xFFFFFFFF  }
0xbc: {  	_ =	strace $0x9000004B  }
0xbd: {  	_ =	sfence  }
0xbe: {  	s30 =	sld [smem:$0x0];
	_ =	sdelay $0x2  }
0xbf: {  	s31 =	sshll.u32 s1, $0xD;
	s1 =	sshrl.u32 s1, $0x2  }
0xc0: {  	s3 =	sand.u32 $0x4000, s31;
	s1 =	sadd.s32 s1, s30  }
0xc1: {  	s0 =	sor.u32 s3, s0;
	s1 =	sshll.u32 s1, $0x11  }
0xc2: {  	s0 =	sor.u32 s1, s0  }
0xc3: {  	s0 =	sadd.s32 $0x8F2B, s0  }
0xc4: {  	[sflag:s0] =	ssyncadd.remote.s32 $0x1  }
0xc5: {  	_ =	sfence.sel $0xFFFF  }
0xc6: {  	[dreg:$0x0] =	wrdreg $0xFFFFFFFF;
	(pc) =	sbr.abs _section_cstart, $3  }
0xc7: {  	[dreg:$0x1] =	wrdreg $0xFFFFFFFF  }
0xc8: {  	_ =	task.clear_ibuf [dreg:s8], $0x2FFFF;
	_ =	strace $0x9FFFFFFF  }
0xc9: {  	(tm) =	ssettm $0x7FFFFFFF  }
tec
execute0_lowered:
.L_overlay_start_1:
0x0: {  	(tag) =	ssettag $0x1  }
0x1: {  	s4 =	rddreg [dreg:$0x0]  }
0x2: {  	s5 =	rddreg [dreg:$0x1]  }
0x3: {  	s7 =	rddreg [dreg:$0x2]  }
0x4: {  	s0 =	rddreg [dreg:$0x3]  }
0x5: {  	s2 =	simm.s32 $0x0;
	s3 =	srdreg.scid;
	s1 =	stileid.u32  }
0x6: {  	s14 =	simm.s32 $0x2800;
	s15 =	simm.s32 $0x1;
	s16 =	simm.s32 $0x5180  }
0x7: {  	s17 =	simm.s32 $0x5300;
	s18 =	simm.s32 $0x2;
	s19 =	simm.s32 $0x5380  }
0x8: {  	s20 =	simm.s32 $0xF380;
	s21 =	simm.s32 $0x0;
	[smem:$0x7FF] =	sst s2  }
0x9: {  	s6 =	sand.u32 $0x1, s3;
	s29 =	sshll.u32 s1, $0x1;
	s9 =	sshrl.u32 s1, $0x2  }
0xa: {  	s3 =	sadd.s32 $0x1E00, s4;
	s8 =	sor.u32 s6, s29;
	s9 =	smul.u32 $0xC00, s9  }
0xb: {  	s6 =	ssub.s32 $0x2, s6;
	s10 =	sshll.u32 s8, $0x7;
	s11 =	smul.u32 $0x1400, s8  }
0xc: {  	s12 =	sshrl.u32 s6, $0x1;
	s30 =	smul.u32 $0x64000, s8;
	s10 =	sand.u32 $0x380, s10  }
0xd: {  	_ =	strace $0x8000004A;
	s12 =	ssub.s32 s6, s12;
	s9 =	sor.u32 s9, s10  }
0xe: {  	v0 =	vlaneseq.u32;
	s13 =	sadd.s32 s11, s4;
	s4 =	smul.u32 $0x140, s8;
	s6 =	sadd.s32 s3, s30  }
0xf: {  	v0 =	vmul.u32 $0x18, v0;
	s7 =	sadd.s32 s7, s11;
	s10 =	simm.s32 $0x80;
	s11 =	simm.s32 $0x400  }
0x10: {  	s31 =	sshrl.u32 s9, $0x3;
	s8 =	sadd.s32 $0xC36E00, s13;
	s9 =	smax.u32 s12, $0x1  }
0x11: {  	v1 =	vimm.s32 $0x40000000;
	v3 =	vimm.s32 $0x0;
	v2 =	vadd.s32 $0x17, v0;
	s12 =	simm.s32 $0x5000;
	s13 =	simm.s32 $0x3;
	s5 =	sadd.s32 s5, s31  }
.LBB2_1:
0x12: {  	[tilespmem:s12], [sflag:$0x3] =	stream.strided.gather [hbm4b:s5+s10], $0x180, s11, s10, $0x38;
	[tilespmem:$0x19380] =	vst v63  }
0x13: {  	_ =	swait.ge [sflag:s13], $0x180  }
0x14: {  	[sflag:s13] =	ssyncset.done $0x0  }
0x15: {  	s22 =	simm.s32 $0x0;
	[sflag:s13] =	ssyncadd.s32 $0xFFFFFE80  }
0x16: {  	[tilespmem:s2], [sflag:$0x1] =	stream.linear.gather [hbm4b:s6+s2], $0x2800, $0x38;
	[tilespmem:$0x19380] =	vst v63  }
.LBB2_2:
0x17: {  	s23 =	sshll.u32 s22, $0x1  }
0x18: {  	s24 =	sadd.s32 s4, s23  }
0x19: {  	s25 =	sor.u32 $0x1, s24  }
0x1a: {  	s25 =	smin.u32 s25, $0x270F  }
0x1b: {  	s25 =	smul.u32 $0x500, s25;
	_ =	sdelay $0x1  }
0x1c: {  	v4 =	vmov s23;
	s25 =	sadd.s32 s3, s25  }
0x1d: {  	[tilespmem:s14], [sflag:$0x2] =	stream.linear.gather [hbm4b:s25+s2], $0x2800, $0x38;
	[tilespmem:$0x19380] =	vst v63  }
0x1e: {  	_ =	swait.ge [sflag:s15], $0x2800  }
0x1f: {  	[sflag:s15] =	ssyncset.done $0x0  }
0x20: {  	[sflag:s15] =	ssyncadd.s32 $0xFFFFD800  }
0x21: {  	v5 =	vld.idx.msk [tilespmem:v4+s12+$0x0], $0xffff;
	[tilespmem:$0x5180] =	vst v1  }
0x22: {  	[tilespmem:$0x5190] =	vst v1  }
0x23: {  	[tilespmem:$0x51A0] =	vst v1  }
0x24: {  	[tilespmem:$0x51B0] =	vst v1  }
0x25: {  	[tilespmem:$0x51C0] =	vst v1  }
0x26: {  	[tilespmem:$0x51D0] =	vst v1  }
0x27: {  	[tilespmem:$0x51E0] =	vst v1  }
0x28: {  	[tilespmem:$0x51F0] =	vst v1  }
0x29: {  	[tilespmem:$0x5200] =	vst v1  }
0x2a: {  	[tilespmem:$0x5210] =	vst v1  }
0x2b: {  	[tilespmem:$0x5220] =	vst v1  }
0x2c: {  	[tilespmem:$0x5230] =	vst v1  }
0x2d: {  	[tilespmem:$0x5240] =	vst v1  }
0x2e: {  	[tilespmem:$0x5250] =	vst v1  }
0x2f: {  	[tilespmem:$0x5260] =	vst v1  }
0x30: {  	[tilespmem:$0x5270] =	vst v1  }
0x31: {  	[tilespmem:$0x5280] =	vst v1  }
0x32: {  	[tilespmem:$0x5290] =	vst v1  }
0x33: {  	[tilespmem:$0x52A0] =	vst v1  }
0x34: {  	[tilespmem:$0x52B0] =	vst v1  }
0x35: {  	[tilespmem:$0x52C0] =	vst v1  }
0x36: {  	[tilespmem:$0x52D0] =	vst v1  }
0x37: {  	[tilespmem:$0x52E0] =	vst v1  }
0x38: {  	s25 =	simm.s32 $0x40;
	[tilespmem:$0x52F0] =	vst v1  }
0x39: {  	v7 =	vld [tilespmem:s25+$0xFFFFFFC0]  }
0x3a: {  	v8 =	vld [tilespmem:s25+$0xFFFFFFD0]  }
0x3b: {  	v9 =	vld [tilespmem:s25+$0xFFFFFFE0]  }
0x3c: {  	v11 =	vld [tilespmem:s25+$0xFFFFFFF0]  }
0x3d: {  	v12 =	vld [tilespmem:s25+$0x0]  }
0x3e: {  	v10 =	vimm.s32 $0x0;
	vm3 =	vge.f32 v7, v5  }
0x3f: {  	v13 =	vld [tilespmem:s25+$0x10];
	v7 =	vadd.s32 v0, v10;
	vm7 =	vge.f32 v8, v5;
	v14 =	vsel vm3, $0x1, v3  }
0x40: {  	vm9 =	vge.f32 v9, v5;
	v8 =	vadd.s32 v14, v10;
	v10 =	vsel vm7, $0x1, v3  }
0x41: {  	vm10 =	vge.f32 v11, v5;
	v9 =	vsel vm9, $0x1, v3;
	v10 =	vadd.s32 v10, v8  }
0x42: {  	vm0 =	vge.f32 v12, v5;
	v11 =	vadd.s32 v9, v10;
	v9 =	vsel vm10, $0x1, v3  }
0x43: {  	v16 =	vld [tilespmem:s25+$0x20];
	vm1 =	vlt.s32 v7, v2;
	v14 =	vsel vm0, $0x1, v3;
	v12 =	vadd.s32 v9, v11  }
0x44: {  	v9 =	vsel vm1, v7, v2;
	vm1 =	vge.f32 v13, v5;
	v13 =	vadd.s32 v14, v12;
	v14 =	vld [tilespmem:s25+$0x30];
	_ =	sdelay $0x2  }
0x45: {  	v6 =	vlaneseq.u32  }
0x46: {  	s26 =	simm.s32 $0x0;
	vm2 =	vge.f32 v16, v5;
	v7 =	vlaneseq.u32;
	v15 =	vsel vm1, $0x1, v3  }
.LBB2_3:
0x47: {  	[tilespmem:v9+s16+$0x0] =	vst.idx.msk vm3, v6;
	v9 =	vadd.s32 v15, v13;
	v15 =	vsel vm2, $0x1, v3;
	vm8 =	vge.f32 v14, v5  }
0x48: {  	s26 =	sadd.s32 $0x8, s26;
	vm4 =	vmmov vm7;
	vm5 =	vmmov vm9;
	vm6 =	vmmov vm10  }
0x49: {  	p0 =	slt.u32 s26, $0x278;
	v14 =	vadd.s32 v0, v9;
	v9 =	vadd.s32 v15, v9;
	v15 =	vsel vm8, $0x1, v3  }
0x4a: {  	v13 =	vadd.s32 v0, v13;
	v16 =	vadd.s32 v0, v9;
	v15 =	vadd.s32 v15, v9  }
0x4b: {  	v10 =	vadd.s32 v0, v10;
	v9 =	vadd.s32 v0, v11;
	v11 =	vadd.s32 v0, v12  }
0x4c: {  	v8 =	vadd.s32 v0, v8;
	v12 =	vadd.s32 v0, v15;
	vm3 =	vlt.s32 v16, v2  }
0x4d: {  	vm9 =	vlt.s32 v13, v2;
	vm10 =	vlt.s32 v14, v2;
	vm7 =	vlt.s32 v11, v2  }
0x4e: {  	s25 =	sadd.s32 $0x80, s25;
	vm11 =	vlt.s32 v8, v2;
	vm12 =	vlt.s32 v10, v2;
	vm13 =	vlt.s32 v9, v2  }
0x4f: {  	v14 =	vsel vm10, v14, v2;
	vm14 =	vlt.s32 v12, v2;
	v16 =	vsel vm3, v16, v2;
	v17 =	vld [tilespmem:s25+$0xFFFFFFC0]  }
0x50: {  	v13 =	vsel vm9, v13, v2;
	v19 =	vsel vm13, v9, v2;
	v11 =	vsel vm7, v11, v2;
	v18 =	vld [tilespmem:s25+$0xFFFFFFD0]  }
0x51: {  	v20 =	vsel vm11, v8, v2;
	v21 =	vsel vm12, v10, v2;
	v9 =	vsel vm14, v12, v2;
	v12 =	vld [tilespmem:s25+$0xFFFFFFE0]  }
0x52: {  	v23 =	vadd.s32 $0x10, v7;
	v6 =	vadd.s32 $0x80, v6;
	v22 =	vld [tilespmem:s25+$0xFFFFFFF0]  }
0x53: {  	v25 =	vadd.s32 $0x20, v7;
	v26 =	vadd.s32 $0x30, v7;
	v8 =	vadd.s32 $0x70, v7;
	v24 =	vld [tilespmem:s25+$0x0]  }
0x54: {  	v27 =	vadd.s32 $0x40, v7;
	v10 =	vadd.s32 $0x60, v7;
	vm3 =	vge.f32 v17, v5;
	v17 =	vld [tilespmem:s25+$0x10];
	[tilespmem:v16+s16+$0x0] =	vst.idx.msk vm8, v8  }
0x55: {  	v8 =	vsel vm3, $0x1, v3;
	vm7 =	vge.f32 v18, v5;
	v16 =	vld [tilespmem:s25+$0x20];
	v18 =	vadd.s32 $0x50, v7;
	[tilespmem:v14+s16+$0x0] =	vst.idx.msk vm2, v10;
	v7 =	vmovc v6  }
.Ltmp0:
0x56: {  	v8 =	vadd.s32 v8, v15;
	v10 =	vsel vm7, $0x1, v3;
	vm9 =	vge.f32 v12, v5;
	v14 =	vld [tilespmem:s25+$0x30];
	[tilespmem:v13+s16+$0x0] =	vst.idx.msk vm1, v18;
	(pc) =	sbr.rel @p0 .LBB2_3-.Ltmp0, $4  }
0x57: {  	v10 =	vadd.s32 v10, v8;
	v12 =	vsel vm9, $0x1, v3;
	vm10 =	vge.f32 v22, v5;
	[tilespmem:v11+s16+$0x0] =	vst.idx.msk vm0, v27  }
0x58: {  	v11 =	vadd.s32 v12, v10;
	v12 =	vsel vm10, $0x1, v3;
	vm0 =	vge.f32 v24, v5;
	[tilespmem:v19+s16+$0x0] =	vst.idx.msk vm6, v26  }
0x59: {  	v12 =	vadd.s32 v12, v11;
	v13 =	vsel vm0, $0x1, v3;
	vm1 =	vge.f32 v17, v5;
	[tilespmem:v21+s16+$0x0] =	vst.idx.msk vm5, v25  }
0x5a: {  	v13 =	vadd.s32 v13, v12;
	v15 =	vsel vm1, $0x1, v3;
	vm2 =	vge.f32 v16, v5;
	[tilespmem:v20+s16+$0x0] =	vst.idx.msk vm4, v23  }
0x5b: {  	v15 =	vadd.s32 v15, v13  }
0x5c: {  	v16 =	vsel vm2, $0x1, v3;
	vm8 =	vge.f32 v14, v5;
	vm4 =	vmmov vm7  }
0x5d: {  	vm5 =	vmmov vm9;
	v5 =	vadd.s32 v16, v15;
	v14 =	vadd.s32 v0, v15  }
0x5e: {  	v13 =	vadd.s32 v0, v13;
	v5 =	vadd.s32 v0, v5;
	vm14 =	vlt.s32 v14, v2  }
0x5f: {  	v10 =	vadd.s32 v0, v10;
	vm7 =	vlt.s32 v5, v2;
	v14 =	vsel vm14, v14, v2  }
0x60: {  	v12 =	vadd.s32 v0, v12;
	v5 =	vsel vm7, v5, v2;
	vm7 =	vlt.s32 v13, v2  }
0x61: {  	v11 =	vadd.s32 v0, v11;
	vm15 =	vlt.s32 v12, v2;
	v13 =	vsel vm7, v13, v2  }
0x62: {  	v8 =	vadd.s32 v0, v8;
	v12 =	vsel vm15, v12, v2;
	vm7 =	vlt.s32 v11, v2  }
0x63: {  	[tilespmem:v9+s16+$0x0] =	vst.idx.msk vm3, v6;
	vm3 =	vlt.s32 v10, v2;
	v6 =	vsel vm7, v11, v2;
	v11 =	vadd.s32 $0x60, v7  }
0x64: {  	v9 =	vadd.s32 $0x70, v7;
	v10 =	vsel vm3, v10, v2;
	vm7 =	vlt.s32 v8, v2;
	[tilespmem:v14+s16+$0x0] =	vst.idx.msk vm2, v11  }
0x65: {  	[tilespmem:v5+s16+$0x0] =	vst.idx.msk vm8, v9;
	v5 =	vsel vm7, v8, v2;
	v8 =	vadd.s32 $0x50, v7  }
0x66: {  	v9 =	vadd.s32 $0x40, v7;
	[tilespmem:v13+s16+$0x0] =	vst.idx.msk vm1, v8  }
0x67: {  	v8 =	vadd.s32 $0x30, v7;
	[tilespmem:v12+s16+$0x0] =	vst.idx.msk vm0, v9  }
0x68: {  	v9 =	vadd.s32 $0x20, v7;
	[tilespmem:v6+s16+$0x0] =	vst.idx.msk vm10, v8  }
0x69: {  	v6 =	vadd.s32 $0x10, v7;
	[tilespmem:v10+s16+$0x0] =	vst.idx.msk vm5, v9  }
0x6a: {  	[tilespmem:v5+s16+$0x0] =	vst.idx.msk vm4, v6  }
0x6b: {  	[tilespmem:$0x5300] =	vst v1  }
0x6c: {  	[tilespmem:$0x5310] =	vst v1  }
0x6d: {  	[tilespmem:$0x5320] =	vst v1  }
0x6e: {  	s25 =	simm.s32 $0x51A0;
	[tilespmem:$0x5330] =	vst v1  }
0x6f: {  	v10 =	vld [tilespmem:s25+$0xFFFFFFE0];
	_ =	sdelay $0x2  }
0x70: {  	v11 =	vld [tilespmem:s25+$0xFFFFFFF0]  }
0x71: {  	v13 =	vld [tilespmem:s25+$0x0]  }
0x72: {  	vm1 =	vlt.s32 v10, $0x40000000  }
0x73: {  	v5 =	vld [tilespmem:s25+$0x10];
	v6 =	vsel vm1, $0x1, v3  }
0x74: {  	(xrf0) =	vadd.scan.msk.s32 $0xffff, v6  }
0x75: {  	vm2 =	vlt.s32 v11, $0x40000000  }
0x76: {  	vm0 =	vlt.s32 v13, $0x40000000;
	v7 =	vsel vm2, $0x1, v3  }
0x77: {  	v9 =	vsel vm0, $0x1, v3;
	v6 =	vmpcnt.ones.xlane vm1;
	(xrf0) =	vadd.scan.msk.s32 $0xffff, v7  }
0x78: {  	s31 =	simm.s32 $0x51E0;
	v8 =	vimm.s32 $0x0;
	vm3 =	vlt.s32 v5, $0x40000000;
	(xrf0) =	vadd.scan.msk.s32 $0xffff, v9  }
0x79: {  	v7 =	vmpcnt.ones.xlane vm2;
	v12 =	vadd.s32 v8, v6;
	v9 =	vmpcnt.ones.xlane vm3;
	v6 =	vld [tilespmem:s31+$0xFFFFFFE0]  }
0x7a: {  	vm6 =	vmmov vm10;
	v14 =	vmpcnt.ones.xlane vm0;
	v17, _, _ =	vpop (xrf0)  }
0x7b: {  	v16 =	vsel vm3, $0x1, v3;
	v15 =	vadd.s32 v12, v7;
	v7 =	vld [tilespmem:s31+$0xFFFFFFF0];
	v8 =	vadd.s32 v17, v8  }
0x7c: {  	vm7 =	vmmov vm1;
	(xrf0) =	vadd.scan.msk.s32 $0xffff, v16;
	v14 =	vadd.s32 v15, v14;
	v16 =	vadd.s32 $0xFFFFFFFF, v8  }
0x7d: {  	vm1 =	vmmov vm2;
	v18 =	vadd.s32 v14, v9;
	v9, _, _ =	vpop (xrf0);
	v8 =	vld [tilespmem:s31+$0x0];
	vm2 =	vlt.s32 v16, $0x3F  }
0x7e: {  	v9 =	vadd.s32 v9, v12;
	v17, _, _ =	vpop (xrf0);
	v16 =	vnsel vm2, $0x3F, v16;
	vm2 =	vlt.s32 v6, $0x40000000  }
0x7f: {  	v12 =	vadd.s32 $0xFFFFFFFF, v9;
	v9 =	vld [tilespmem:s31+$0x10];
	v15 =	vadd.s32 v17, v15;
	v17 =	vsel vm2, $0x1, v3  }
0x80: {  	vm5 =	vmmov vm0;
	vm0 =	vmmov vm3;
	vm6 =	vlt.s32 v7, $0x40000000  }
0x81: {  	v19 =	vsel vm6, $0x1, v3;
	vm4 =	vlt.s32 v12, $0x3F;
	v15 =	vadd.s32 $0xFFFFFFFF, v15;
	(xrf0) =	vadd.scan.msk.s32 $0xffff, v17  }
0x82: {  	v20 =	vnsel vm4, $0x3F, v12;
	v12 =	vmpcnt.ones.xlane vm2;
	vm3 =	vlt.s32 v8, $0x40000000;
	(xrf0) =	vadd.scan.msk.s32 $0xffff, v19;
	v17, _, _ =	vpop (xrf0)  }
0x83: {  	v19 =	vmpcnt.ones.xlane vm6;
	v14 =	vadd.s32 v17, v14;
	v17 =	vsel vm3, $0x1, v3  }
0x84: {  	vm8 =	vlt.s32 v15, $0x3F;
	vm2 =	vmmov vm2;
	vm4 =	vlt.s32 v9, $0x40000000;
	(xrf0) =	vadd.scan.msk.s32 $0xffff, v17  }
0x85: {  	v22 =	vnsel vm8, $0x3F, v15;
	[tilespmem:v16+s17+$0x0] =	vst.idx.msk vm7, v10;
	v10 =	vsel vm4, $0x1, v3;
	v15 =	vadd.s32 $0xFFFFFFFF, v14  }
0x86: {  	v21 =	vadd.s32 v18, v12;
	v12 =	vmpcnt.ones.xlane vm3;
	vm7 =	vlt.s32 v15, $0x3F;
	(xrf0) =	vadd.scan.msk.s32 $0xffff, v10  }
0x87: {  	s25 =	simm.s32 $0x5220;
	v17 =	vadd.s32 v21, v19;
	v14 =	vmpcnt.ones.xlane vm4;
	v19, _, _ =	vpop (xrf0);
	v15 =	vnsel vm7, $0x3F, v15  }
0x88: {  	[tilespmem:v20+s17+$0x0] =	vst.idx.msk vm1, v11;
	v11 =	vld [tilespmem:s25+$0xFFFFFFF0];
	vm1 =	vmmov vm6;
	v16 =	vadd.s32 v17, v12;
	v10 =	vadd.s32 v19, v18;
	v18, _, _ =	vpop (xrf0)  }
0x89: {  	v12 =	vld [tilespmem:s25+$0xFFFFFFE0];
	v14 =	vadd.s32 v16, v14;
	v19 =	vadd.s32 $0xFFFFFFFF, v10;
	v18 =	vadd.s32 v18, v21  }
0x8a: {  	s26 =	simm.s32 $0x8;
	[tilespmem:v22+s17+$0x0] =	vst.idx.msk vm5, v13;
	v13 =	vmov v14;
	v10 =	vld [tilespmem:s25+$0x0];
	vm6 =	vlt.s32 v19, $0x3F;
	v18 =	vadd.s32 $0xFFFFFFFF, v18;
	v20, _, _ =	vpop (xrf0)  }
.LBB2_5:
0x8b: {  	v19 =	vnsel vm6, $0x3F, v19;
	vm6 =	vlt.s32 v18, $0x3F;
	v17 =	vadd.s32 v20, v17  }
0x8c: {  	s26 =	sadd.s32 $0x4, s26;
	v20, _, _ =	vpop (xrf0);
	[tilespmem:v15+s17+$0x0] =	vst.idx.msk vm0, v5;
	v5 =	vmov v9;
	v9 =	vld [tilespmem:s25+$0x10];
	vm5 =	vmmov vm3;
	vm0 =	vmmov vm4  }
0x8d: {  	p0 =	slt.u32 s26, $0x14;
	v18 =	vnsel vm6, $0x3F, v18;
	v15 =	vadd.s32 $0xFFFFFFFF, v17;
	v16 =	vadd.s32 v20, v16  }
0x8e: {  	vm6 =	vlt.s32 v12, $0x40000000;
	vm7 =	vlt.s32 v15, $0x3F;
	v20 =	vadd.s32 $0xFFFFFFFF, v16  }
0x8f: {  	v16 =	vsel vm6, $0x1, v3;
	v17 =	vmpcnt.ones.xlane vm6;
	vm8 =	vlt.s32 v11, $0x40000000  }
0x90: {  	v21 =	vsel vm8, $0x1, v3;
	v22 =	vmpcnt.ones.xlane vm8;
	vm3 =	vlt.s32 v10, $0x40000000;
	(xrf0) =	vadd.scan.msk.s32 $0xffff, v16  }
0x91: {  	v23 =	vadd.s32 v14, v17;
	v14 =	vmpcnt.ones.xlane vm3;
	vm4 =	vlt.s32 v9, $0x40000000;
	(xrf0) =	vadd.scan.msk.s32 $0xffff, v21  }
0x92: {  	v21 =	vsel vm3, $0x1, v3;
	v17 =	vadd.s32 v23, v22;
	v22 =	vmpcnt.ones.xlane vm4;
	[tilespmem:v19+s17+$0x0] =	vst.idx.msk vm2, v6;
	v6 =	vmovc v12  }
0x93: {  	v12 =	vsel vm4, $0x1, v3;
	vm2 =	vlt.s32 v20, $0x3F;
	v16 =	vadd.s32 v17, v14;
	(xrf0) =	vadd.scan.msk.s32 $0xffff, v21  }
0x94: {  	v21 =	vnsel vm7, $0x3F, v15;
	v15 =	vnsel vm2, $0x3F, v20;
	v14 =	vadd.s32 v16, v22;
	(xrf0) =	vadd.scan.msk.s32 $0xffff, v12  }
.Ltmp1:
0x95: {  	vm2 =	vmmov vm6;
	[tilespmem:v18+s17+$0x0] =	vst.idx.msk vm1, v7;
	v7 =	vmov v11;
	vm1 =	vmmov vm8;
	(pc) =	sbr.rel @p0 .LBB2_5-.Ltmp1, $4  }
0x96: {  	s25 =	sadd.s32 $0x40, s25;
	v11, _, _ =	vpop (xrf0)  }
0x97: {  	v12 =	vld [tilespmem:s25+$0xFFFFFFE0];
	v18 =	vadd.s32 v11, v13;
	v20, _, _ =	vpop (xrf0);
	v13 =	vmov v14  }
0x98: {  	v11 =	vld [tilespmem:s25+$0xFFFFFFF0];
	v19 =	vadd.s32 $0xFFFFFFFF, v18;
	v18 =	vadd.s32 v20, v23  }
0x99: {  	vm6 =	vlt.s32 v19, $0x3F;
	v18 =	vadd.s32 $0xFFFFFFFF, v18;
	v20, _, _ =	vpop (xrf0);
	[tilespmem:v21+s17+$0x0] =	vst.idx.msk vm5, v8;
	v8 =	vmov v10;
	v10 =	vld [tilespmem:s25+$0x0]  }
0x9a: {  	_ = 	snop  }
0x9b: {  	v21 =	vld [tilespmem:s25+$0x10]  }
0x9c: {  	v19 =	vnsel vm6, $0x3F, v19;
	vm7 =	vlt.s32 v12, $0x40000000  }
0x9d: {  	vm9 =	vlt.s32 v18, $0x3F;
	v17 =	vadd.s32 v20, v17;
	v22 =	vsel vm7, $0x1, v3  }
0x9e: {  	vm5 =	vmmov vm3;
	vm3 =	vmmov vm4;
	vm8 =	vlt.s32 v11, $0x40000000;
	(xrf0) =	vadd.scan.msk.s32 $0xffff, v22  }
0x9f: {  	v17 =	vadd.s32 $0xFFFFFFFF, v17;
	v20 =	vsel vm8, $0x1, v3;
	vm6 =	vlt.s32 v10, $0x40000000  }
0xa0: {  	v23 =	vmpcnt.ones.xlane vm7;
	(xrf0) =	vadd.scan.msk.s32 $0xffff, v20;
	vm4 =	vlt.s32 v21, $0x40000000;
	v20 =	vsel vm6, $0x1, v3  }
0xa1: {  	v18 =	vnsel vm9, $0x3F, v18;
	vm9 =	vlt.s32 v17, $0x3F;
	v22, _, _ =	vpop (xrf0);
	v24 =	vsel vm4, $0x1, v3;
	(xrf0) =	vadd.scan.msk.s32 $0xffff, v20  }
0xa2: {  	v17 =	vnsel vm9, $0x3F, v17;
	(xrf0) =	vadd.scan.msk.s32 $0xffff, v24  }
0xa3: {  	vm7 =	vmmov vm7;
	v14 =	vadd.s32 v14, v23;
	v20 =	vmpcnt.ones.xlane vm8  }
0xa4: {  	vm8 =	vmmov vm8;
	v16 =	vadd.s32 v22, v16;
	v22 =	vmpcnt.ones.xlane vm6;
	v23, _, _ =	vpop (xrf0)  }
0xa5: {  	v16 =	vadd.s32 $0xFFFFFFFF, v16;
	v20 =	vadd.s32 v14, v20;
	v13 =	vadd.s32 v23, v13  }
0xa6: {  	vm9 =	vlt.s32 v16, $0x3F;
	v22 =	vadd.s32 v20, v22;
	v23, _, _ =	vpop (xrf0);
	v13 =	vadd.s32 $0xFFFFFFFF, v13  }
0xa7: {  	v16 =	vnsel vm9, $0x3F, v16;
	v14 =	vadd.s32 v23, v14;
	v23, _, _ =	vpop (xrf0);
	vm9 =	vlt.s32 v13, $0x3F  }
0xa8: {  	v14 =	vadd.s32 $0xFFFFFFFF, v14;
	v20 =	vadd.s32 v23, v20;
	v23, _, _ =	vpop (xrf0);
	v13 =	vnsel vm9, $0x3F, v13  }
0xa9: {  	[tilespmem:v15+s17+$0x0] =	vst.idx.msk vm0, v5;
	vm9 =	vlt.s32 v14, $0x3F;
	v5 =	vadd.s32 $0xFFFFFFFF, v20;
	v15 =	vadd.s32 v23, v22  }
0xaa: {  	[tilespmem:v19+s17+$0x0] =	vst.idx.msk vm2, v6;
	v6 =	vnsel vm9, $0x3F, v14;
	vm2 =	vlt.s32 v5, $0x3F;
	v14 =	vadd.s32 $0xFFFFFFFF, v15  }
0xab: {  	[tilespmem:v18+s17+$0x0] =	vst.idx.msk vm1, v7;
	vm1 =	vmmov vm4;
	vm4 =	vlt.s32 v14, $0x3F;
	v5 =	vnsel vm2, $0x3F, v5  }
0xac: {  	[tilespmem:v17+s17+$0x0] =	vst.idx.msk vm5, v8;
	v7 =	vnsel vm4, $0x3F, v14  }
0xad: {  	[tilespmem:v16+s17+$0x0] =	vst.idx.msk vm3, v9  }
0xae: {  	[tilespmem:v13+s17+$0x0] =	vst.idx.msk vm7, v12  }
0xaf: {  	[tilespmem:v6+s17+$0x0] =	vst.idx.msk vm8, v11  }
0xb0: {  	[tilespmem:v5+s17+$0x0] =	vst.idx.msk vm6, v10  }
0xb1: {  	[tilespmem:v7+s17+$0x0] =	vst.idx.msk vm1, v21  }
0xb2: {  	v8 =	vld [tilespmem:$0x5300]  }
0xb3: {  	v7 =	vld [tilespmem:$0x5310]  }
0xb4: {  	v6 =	vld [tilespmem:$0x5320]  }
0xb5: {  	v5 =	vld [tilespmem:$0x5330]  }
0xb6: {  	vm0 =	vmmov vm6  }
0xb7: {  	vm0 =	vlt.s32 v8, $0x27FF  }
0xb8: {  	v9 =	vnsel vm0, $0x27FF, v8;
	vm0 =	vlt.s32 v7, $0x27FF  }
0xb9: {  	v10 =	vnsel vm0, $0x27FF, v7;
	vm0 =	vlt.s32 v6, $0x27FF  }
0xba: {  	s24 =	smin.u32 s24, $0x270D;
	v11 =	vnsel vm0, $0x27FF, v6;
	vm0 =	vlt.s32 v5, $0x27FF  }
0xbb: {  	s24 =	smul.u32 $0x2800, s24;
	v14 =	vnsel vm0, $0x27FF, v5;
	_ =	sdelay $0x1  }
0xbc: {  	s24 =	sshrl.u32 s24, $0x3;
	v13 =	vld.idx.msk [tilespmem:v9+s2+$0x0], $0xffff  }
0xbd: {  	s23 =	sor.u32 $0x1, s23;
	s24 =	sadd.s32 s3, s24;
	v12 =	vld.idx.msk [tilespmem:v10+s2+$0x0], $0xffff  }
0xbe: {  	s24 =	sadd.s32 $0xA00, s24;
	v9 =	vmov s23;
	v11 =	vld.idx.msk [tilespmem:v11+s2+$0x0], $0xffff  }
0xbf: {  	v10 =	vld.idx.msk [tilespmem:v14+s2+$0x0], $0xffff;
	[tilespmem:s2], [sflag:$0x1] =	stream.linear.gather [hbm4b:s24+s2], $0x2800, $0x38  }
0xc0: {  	_ =	swait.ge [sflag:s18], $0x2800  }
0xc1: {  	[sflag:s18] =	ssyncset.done $0x0  }
0xc2: {  	[sflag:s18] =	ssyncadd.s32 $0xFFFFD800  }
0xc3: {  	v14 =	vld.idx.msk [tilespmem:v9+s12+$0x0], $0xffff;
	[tilespmem:$0x5180] =	vst v1  }
0xc4: {  	[tilespmem:$0x5190] =	vst v1  }
0xc5: {  	[tilespmem:$0x51A0] =	vst v1  }
0xc6: {  	[tilespmem:$0x51B0] =	vst v1  }
0xc7: {  	[tilespmem:$0x51C0] =	vst v1  }
0xc8: {  	[tilespmem:$0x51D0] =	vst v1  }
0xc9: {  	[tilespmem:$0x51E0] =	vst v1  }
0xca: {  	[tilespmem:$0x51F0] =	vst v1  }
0xcb: {  	[tilespmem:$0x5200] =	vst v1  }
0xcc: {  	[tilespmem:$0x5210] =	vst v1  }
0xcd: {  	[tilespmem:$0x5220] =	vst v1  }
0xce: {  	[tilespmem:$0x5230] =	vst v1  }
0xcf: {  	[tilespmem:$0x5240] =	vst v1  }
0xd0: {  	[tilespmem:$0x5250] =	vst v1  }
0xd1: {  	[tilespmem:$0x5260] =	vst v1  }
0xd2: {  	[tilespmem:$0x5270] =	vst v1  }
0xd3: {  	[tilespmem:$0x5280] =	vst v1  }
0xd4: {  	[tilespmem:$0x5290] =	vst v1  }
0xd5: {  	[tilespmem:$0x52A0] =	vst v1  }
0xd6: {  	[tilespmem:$0x52B0] =	vst v1  }
0xd7: {  	[tilespmem:$0x52C0] =	vst v1  }
0xd8: {  	[tilespmem:$0x52D0] =	vst v1  }
0xd9: {  	[tilespmem:$0x52E0] =	vst v1  }
0xda: {  	s23 =	simm.s32 $0x2840;
	[tilespmem:$0x52F0] =	vst v1  }
0xdb: {  	v16 =	vld [tilespmem:s23+$0xFFFFFFC0]  }
0xdc: {  	v17 =	vld [tilespmem:s23+$0xFFFFFFD0]  }
0xdd: {  	v18 =	vld [tilespmem:s23+$0xFFFFFFE0]  }
0xde: {  	v20 =	vld [tilespmem:s23+$0xFFFFFFF0]  }
0xdf: {  	v21 =	vld [tilespmem:s23+$0x0]  }
0xe0: {  	v19 =	vimm.s32 $0x0;
	vm3 =	vge.f32 v16, v14  }
0xe1: {  	v22 =	vld [tilespmem:s23+$0x10];
	v16 =	vadd.s32 v0, v19;
	vm7 =	vge.f32 v17, v14;
	v23 =	vsel vm3, $0x1, v3  }
0xe2: {  	vm9 =	vge.f32 v18, v14;
	v17 =	vadd.s32 v23, v19;
	v19 =	vsel vm7, $0x1, v3  }
0xe3: {  	vm10 =	vge.f32 v20, v14;
	v18 =	vsel vm9, $0x1, v3;
	v19 =	vadd.s32 v19, v17  }
0xe4: {  	vm0 =	vge.f32 v21, v14;
	v20 =	vadd.s32 v18, v19;
	v18 =	vsel vm10, $0x1, v3  }
0xe5: {  	v25 =	vld [tilespmem:s23+$0x20];
	vm1 =	vlt.s32 v16, v2;
	v23 =	vsel vm0, $0x1, v3;
	v21 =	vadd.s32 v18, v20  }
0xe6: {  	v18 =	vsel vm1, v16, v2;
	vm1 =	vge.f32 v22, v14;
	v22 =	vadd.s32 v23, v21;
	v23 =	vld [tilespmem:s23+$0x30];
	_ =	sdelay $0x2  }
0xe7: {  	v15 =	vlaneseq.u32  }
0xe8: {  	s24 =	simm.s32 $0x0;
	vm2 =	vge.f32 v25, v14;
	v16 =	vlaneseq.u32;
	v24 =	vsel vm1, $0x1, v3  }
.LBB2_7:
0xe9: {  	[tilespmem:v18+s16+$0x0] =	vst.idx.msk vm3, v15;
	v18 =	vadd.s32 v24, v22;
	v24 =	vsel vm2, $0x1, v3;
	vm8 =	vge.f32 v23, v14  }
0xea: {  	s24 =	sadd.s32 $0x8, s24;
	vm4 =	vmmov vm7;
	vm5 =	vmmov vm9;
	vm6 =	vmmov vm10  }
0xeb: {  	p0 =	slt.u32 s24, $0x278;
	v23 =	vadd.s32 v0, v18;
	v18 =	vadd.s32 v24, v18;
	v24 =	vsel vm8, $0x1, v3  }
0xec: {  	v22 =	vadd.s32 v0, v22;
	v25 =	vadd.s32 v0, v18;
	v24 =	vadd.s32 v24, v18  }
0xed: {  	v19 =	vadd.s32 v0, v19;
	v18 =	vadd.s32 v0, v20;
	v20 =	vadd.s32 v0, v21  }
0xee: {  	v17 =	vadd.s32 v0, v17;
	v21 =	vadd.s32 v0, v24;
	vm3 =	vlt.s32 v25, v2  }
0xef: {  	vm9 =	vlt.s32 v22, v2;
	vm10 =	vlt.s32 v23, v2;
	vm7 =	vlt.s32 v20, v2  }
0xf0: {  	s23 =	sadd.s32 $0x80, s23;
	vm11 =	vlt.s32 v17, v2;
	vm12 =	vlt.s32 v19, v2;
	vm13 =	vlt.s32 v18, v2  }
0xf1: {  	v23 =	vsel vm10, v23, v2;
	vm14 =	vlt.s32 v21, v2;
	v25 =	vsel vm3, v25, v2;
	v26 =	vld [tilespmem:s23+$0xFFFFFFC0]  }
0xf2: {  	v22 =	vsel vm9, v22, v2;
	v28 =	vsel vm13, v18, v2;
	v20 =	vsel vm7, v20, v2;
	v27 =	vld [tilespmem:s23+$0xFFFFFFD0]  }
0xf3: {  	v29 =	vsel vm11, v17, v2;
	v30 =	vsel vm12, v19, v2;
	v18 =	vsel vm14, v21, v2;
	v21 =	vld [tilespmem:s23+$0xFFFFFFE0]  }
0xf4: {  	v32 =	vadd.s32 $0x10, v16;
	v15 =	vadd.s32 $0x80, v15;
	v31 =	vld [tilespmem:s23+$0xFFFFFFF0]  }
0xf5: {  	v34 =	vadd.s32 $0x20, v16;
	v35 =	vadd.s32 $0x30, v16;
	v17 =	vadd.s32 $0x70, v16;
	v33 =	vld [tilespmem:s23+$0x0]  }
0xf6: {  	v36 =	vadd.s32 $0x40, v16;
	v19 =	vadd.s32 $0x60, v16;
	vm3 =	vge.f32 v26, v14;
	v26 =	vld [tilespmem:s23+$0x10];
	[tilespmem:v25+s16+$0x0] =	vst.idx.msk vm8, v17  }
0xf7: {  	v17 =	vsel vm3, $0x1, v3;
	vm7 =	vge.f32 v27, v14;
	v25 =	vld [tilespmem:s23+$0x20];
	v27 =	vadd.s32 $0x50, v16;
	[tilespmem:v23+s16+$0x0] =	vst.idx.msk vm2, v19;
	v16 =	vmovc v15  }
.Ltmp2:
0xf8: {  	v17 =	vadd.s32 v17, v24;
	v19 =	vsel vm7, $0x1, v3;
	vm9 =	vge.f32 v21, v14;
	v23 =	vld [tilespmem:s23+$0x30];
	[tilespmem:v22+s16+$0x0] =	vst.idx.msk vm1, v27;
	(pc) =	sbr.rel @p0 .LBB2_7-.Ltmp2, $4  }
0xf9: {  	v19 =	vadd.s32 v19, v17;
	v21 =	vsel vm9, $0x1, v3;
	vm10 =	vge.f32 v31, v14;
	[tilespmem:v20+s16+$0x0] =	vst.idx.msk vm0, v36  }
0xfa: {  	v20 =	vadd.s32 v21, v19;
	v21 =	vsel vm10, $0x1, v3;
	vm0 =	vge.f32 v33, v14;
	[tilespmem:v28+s16+$0x0] =	vst.idx.msk vm6, v35  }
0xfb: {  	v21 =	vadd.s32 v21, v20;
	v22 =	vsel vm0, $0x1, v3;
	vm1 =	vge.f32 v26, v14;
	[tilespmem:v30+s16+$0x0] =	vst.idx.msk vm5, v34  }
0xfc: {  	v22 =	vadd.s32 v22, v21;
	v24 =	vsel vm1, $0x1, v3;
	vm2 =	vge.f32 v25, v14;
	[tilespmem:v29+s16+$0x0] =	vst.idx.msk vm4, v32  }
0xfd: {  	v24 =	vadd.s32 v24, v22  }
0xfe: {  	v25 =	vsel vm2, $0x1, v3;
	vm8 =	vge.f32 v23, v14;
	vm4 =	vmmov vm7  }
0xff: {  	vm5 =	vmmov vm9;
	v14 =	vadd.s32 v25, v24;
	v23 =	vadd.s32 v0, v24  }
0x100: {  	v22 =	vadd.s32 v0, v22;
	v14 =	vadd.s32 v0, v14;
	vm14 =	vlt.s32 v23, v2  }
0x101: {  	v19 =	vadd.s32 v0, v19;
	vm7 =	vlt.s32 v14, v2;
	v23 =	vsel vm14, v23, v2  }
0x102: {  	v21 =	vadd.s32 v0, v21;
	v14 =	vsel vm7, v14, v2;
	vm7 =	vlt.s32 v22, v2  }
0x103: {  	v20 =	vadd.s32 v0, v20;
	vm15 =	vlt.s32 v21, v2;
	v22 =	vsel vm7, v22, v2  }
0x104: {  	v17 =	vadd.s32 v0, v17;
	v21 =	vsel vm15, v21, v2;
	vm7 =	vlt.s32 v20, v2  }
0x105: {  	[tilespmem:v18+s16+$0x0] =	vst.idx.msk vm3, v15;
	vm3 =	vlt.s32 v19, v2;
	v15 =	vsel vm7, v20, v2;
	v20 =	vadd.s32 $0x60, v16  }
0x106: {  	v18 =	vadd.s32 $0x70, v16;
	v19 =	vsel vm3, v19, v2;
	vm7 =	vlt.s32 v17, v2;
	[tilespmem:v23+s16+$0x0] =	vst.idx.msk vm2, v20  }
0x107: {  	[tilespmem:v14+s16+$0x0] =	vst.idx.msk vm8, v18;
	v14 =	vsel vm7, v17, v2;
	v17 =	vadd.s32 $0x50, v16  }
0x108: {  	v18 =	vadd.s32 $0x40, v16;
	[tilespmem:v22+s16+$0x0] =	vst.idx.msk vm1, v17  }
0x109: {  	v17 =	vadd.s32 $0x30, v16;
	[tilespmem:v21+s16+$0x0] =	vst.idx.msk vm0, v18  }
0x10a: {  	v18 =	vadd.s32 $0x20, v16;
	[tilespmem:v15+s16+$0x0] =	vst.idx.msk vm10, v17  }
0x10b: {  	v15 =	vadd.s32 $0x10, v16;
	[tilespmem:v19+s16+$0x0] =	vst.idx.msk vm5, v18  }
0x10c: {  	[tilespmem:v14+s16+$0x0] =	vst.idx.msk vm4, v15  }
0x10d: {  	[tilespmem:$0x5300] =	vst v1  }
0x10e: {  	[tilespmem:$0x5310] =	vst v1  }
0x10f: {  	[tilespmem:$0x5320] =	vst v1  }
0x110: {  	s23 =	simm.s32 $0x51A0;
	[tilespmem:$0x5330] =	vst v1  }
0x111: {  	v19 =	vld [tilespmem:s23+$0xFFFFFFE0];
	_ =	sdelay $0x2  }
0x112: {  	v20 =	vld [tilespmem:s23+$0xFFFFFFF0]  }
0x113: {  	v22 =	vld [tilespmem:s23+$0x0]  }
0x114: {  	vm1 =	vlt.s32 v19, $0x40000000  }
0x115: {  	v14 =	vld [tilespmem:s23+$0x10];
	v15 =	vsel vm1, $0x1, v3  }
0x116: {  	(xrf0) =	vadd.scan.msk.s32 $0xffff, v15  }
0x117: {  	vm2 =	vlt.s32 v20, $0x40000000  }
0x118: {  	vm0 =	vlt.s32 v22, $0x40000000;
	v16 =	vsel vm2, $0x1, v3  }
0x119: {  	v18 =	vsel vm0, $0x1, v3;
	v15 =	vmpcnt.ones.xlane vm1;
	(xrf0) =	vadd.scan.msk.s32 $0xffff, v16  }
0x11a: {  	s31 =	simm.s32 $0x51E0;
	v17 =	vimm.s32 $0x0;
	vm3 =	vlt.s32 v14, $0x40000000;
	(xrf0) =	vadd.scan.msk.s32 $0xffff, v18  }
0x11b: {  	v16 =	vmpcnt.ones.xlane vm2;
	v21 =	vadd.s32 v17, v15;
	v18 =	vmpcnt.ones.xlane vm3;
	v15 =	vld [tilespmem:s31+$0xFFFFFFE0]  }
0x11c: {  	vm6 =	vmmov vm10;
	v23 =	vmpcnt.ones.xlane vm0;
	v26, _, _ =	vpop (xrf0)  }
0x11d: {  	v25 =	vsel vm3, $0x1, v3;
	v24 =	vadd.s32 v21, v16;
	v16 =	vld [tilespmem:s31+$0xFFFFFFF0];
	v17 =	vadd.s32 v26, v17  }
0x11e: {  	vm7 =	vmmov vm1;
	(xrf0) =	vadd.scan.msk.s32 $0xffff, v25;
	v23 =	vadd.s32 v24, v23;
	v25 =	vadd.s32 $0xFFFFFFFF, v17  }
0x11f: {  	vm1 =	vmmov vm2;
	v27 =	vadd.s32 v23, v18;
	v18, _, _ =	vpop (xrf0);
	v17 =	vld [tilespmem:s31+$0x0];
	vm2 =	vlt.s32 v25, $0x3F  }
0x120: {  	v18 =	vadd.s32 v18, v21;
	v26, _, _ =	vpop (xrf0);
	v25 =	vnsel vm2, $0x3F, v25;
	vm2 =	vlt.s32 v15, $0x40000000  }
0x121: {  	v21 =	vadd.s32 $0xFFFFFFFF, v18;
	v18 =	vld [tilespmem:s31+$0x10];
	v24 =	vadd.s32 v26, v24;
	v26 =	vsel vm2, $0x1, v3  }
0x122: {  	vm5 =	vmmov vm0;
	vm0 =	vmmov vm3;
	vm6 =	vlt.s32 v16, $0x40000000  }
0x123: {  	v28 =	vsel vm6, $0x1, v3;
	vm4 =	vlt.s32 v21, $0x3F;
	v24 =	vadd.s32 $0xFFFFFFFF, v24;
	(xrf0) =	vadd.scan.msk.s32 $0xffff, v26  }
0x124: {  	v29 =	vnsel vm4, $0x3F, v21;
	v21 =	vmpcnt.ones.xlane vm2;
	vm3 =	vlt.s32 v17, $0x40000000;
	(xrf0) =	vadd.scan.msk.s32 $0xffff, v28;
	v26, _, _ =	vpop (xrf0)  }
0x125: {  	v28 =	vmpcnt.ones.xlane vm6;
	v23 =	vadd.s32 v26, v23;
	v26 =	vsel vm3, $0x1, v3  }
0x126: {  	vm8 =	vlt.s32 v24, $0x3F;
	vm2 =	vmmov vm2;
	vm4 =	vlt.s32 v18, $0x40000000;
	(xrf0) =	vadd.scan.msk.s32 $0xffff, v26  }
0x127: {  	v31 =	vnsel vm8, $0x3F, v24;
	[tilespmem:v25+s17+$0x0] =	vst.idx.msk vm7, v19;
	v19 =	vsel vm4, $0x1, v3;
	v24 =	vadd.s32 $0xFFFFFFFF, v23  }
0x128: {  	v30 =	vadd.s32 v27, v21;
	v21 =	vmpcnt.ones.xlane vm3;
	vm7 =	vlt.s32 v24, $0x3F;
	(xrf0) =	vadd.scan.msk.s32 $0xffff, v19  }
0x129: {  	s23 =	simm.s32 $0x5220;
	v26 =	vadd.s32 v30, v28;
	v23 =	vmpcnt.ones.xlane vm4;
	v28, _, _ =	vpop (xrf0);
	v24 =	vnsel vm7, $0x3F, v24  }
0x12a: {  	[tilespmem:v29+s17+$0x0] =	vst.idx.msk vm1, v20;
	v20 =	vld [tilespmem:s23+$0xFFFFFFF0];
	vm1 =	vmmov vm6;
	v25 =	vadd.s32 v26, v21;
	v19 =	vadd.s32 v28, v27;
	v27, _, _ =	vpop (xrf0)  }
0x12b: {  	v21 =	vld [tilespmem:s23+$0xFFFFFFE0];
	v23 =	vadd.s32 v25, v23;
	v28 =	vadd.s32 $0xFFFFFFFF, v19;
	v27 =	vadd.s32 v27, v30  }
0x12c: {  	s24 =	simm.s32 $0x8;
	[tilespmem:v31+s17+$0x0] =	vst.idx.msk vm5, v22;
	v22 =	vmov v23;
	v19 =	vld [tilespmem:s23+$0x0];
	vm6 =	vlt.s32 v28, $0x3F;
	v27 =	vadd.s32 $0xFFFFFFFF, v27;
	v29, _, _ =	vpop (xrf0)  }
.LBB2_9:
0x12d: {  	v28 =	vnsel vm6, $0x3F, v28;
	vm6 =	vlt.s32 v27, $0x3F;
	v26 =	vadd.s32 v29, v26  }
0x12e: {  	s24 =	sadd.s32 $0x4, s24;
	v29, _, _ =	vpop (xrf0);
	[tilespmem:v24+s17+$0x0] =	vst.idx.msk vm0, v14;
	v14 =	vmov v18;
	v18 =	vld [tilespmem:s23+$0x10];
	vm5 =	vmmov vm3;
	vm0 =	vmmov vm4  }
0x12f: {  	p0 =	slt.u32 s24, $0x14;
	v27 =	vnsel vm6, $0x3F, v27;
	v24 =	vadd.s32 $0xFFFFFFFF, v26;
	v25 =	vadd.s32 v29, v25  }
0x130: {  	vm6 =	vlt.s32 v21, $0x40000000;
	vm7 =	vlt.s32 v24, $0x3F;
	v29 =	vadd.s32 $0xFFFFFFFF, v25  }
0x131: {  	v25 =	vsel vm6, $0x1, v3;
	v26 =	vmpcnt.ones.xlane vm6;
	vm8 =	vlt.s32 v20, $0x40000000  }
0x132: {  	v30 =	vsel vm8, $0x1, v3;
	v31 =	vmpcnt.ones.xlane vm8;
	vm3 =	vlt.s32 v19, $0x40000000;
	(xrf0) =	vadd.scan.msk.s32 $0xffff, v25  }
0x133: {  	v32 =	vadd.s32 v23, v26;
	v23 =	vmpcnt.ones.xlane vm3;
	vm4 =	vlt.s32 v18, $0x40000000;
	(xrf0) =	vadd.scan.msk.s32 $0xffff, v30  }
0x134: {  	v30 =	vsel vm3, $0x1, v3;
	v26 =	vadd.s32 v32, v31;
	v31 =	vmpcnt.ones.xlane vm4;
	[tilespmem:v28+s17+$0x0] =	vst.idx.msk vm2, v15;
	v15 =	vmovc v21  }
0x135: {  	v21 =	vsel vm4, $0x1, v3;
	vm2 =	vlt.s32 v29, $0x3F;
	v25 =	vadd.s32 v26, v23;
	(xrf0) =	vadd.scan.msk.s32 $0xffff, v30  }
0x136: {  	v30 =	vnsel vm7, $0x3F, v24;
	v24 =	vnsel vm2, $0x3F, v29;
	v23 =	vadd.s32 v25, v31;
	(xrf0) =	vadd.scan.msk.s32 $0xffff, v21  }
.Ltmp3:
0x137: {  	vm2 =	vmmov vm6;
	[tilespmem:v27+s17+$0x0] =	vst.idx.msk vm1, v16;
	v16 =	vmov v20;
	vm1 =	vmmov vm8;
	(pc) =	sbr.rel @p0 .LBB2_9-.Ltmp3, $4  }
0x138: {  	s23 =	sadd.s32 $0x40, s23;
	v20, _, _ =	vpop (xrf0)  }
0x139: {  	v21 =	vld [tilespmem:s23+$0xFFFFFFE0];
	v27 =	vadd.s32 v20, v22;
	v29, _, _ =	vpop (xrf0);
	v22 =	vmov v23  }
0x13a: {  	v20 =	vld [tilespmem:s23+$0xFFFFFFF0];
	v28 =	vadd.s32 $0xFFFFFFFF, v27;
	v27 =	vadd.s32 v29, v32  }
0x13b: {  	vm6 =	vlt.s32 v28, $0x3F;
	v27 =	vadd.s32 $0xFFFFFFFF, v27;
	v29, _, _ =	vpop (xrf0);
	[tilespmem:v30+s17+$0x0] =	vst.idx.msk vm5, v17;
	v17 =	vmov v19;
	v19 =	vld [tilespmem:s23+$0x0]  }
0x13c: {  	_ = 	snop  }
0x13d: {  	v30 =	vld [tilespmem:s23+$0x10]  }
0x13e: {  	vm7 =	vlt.s32 v21, $0x40000000  }
0x13f: {  	v28 =	vnsel vm6, $0x3F, v28;
	v31 =	vsel vm7, $0x1, v3  }
0x140: {  	vm9 =	vlt.s32 v27, $0x3F;
	v26 =	vadd.s32 v29, v26;
	vm8 =	vlt.s32 v20, $0x40000000;
	(xrf0) =	vadd.scan.msk.s32 $0xffff, v31  }
0x141: {  	vm5 =	vmmov vm3;
	v45 =	vsel vm8, $0x1, v3;
	vm6 =	vlt.s32 v19, $0x40000000  }
0x142: {  	vm3 =	vmmov vm4;
	v47, _, _ =	vpop (xrf0);
	(xrf0) =	vadd.scan.msk.s32 $0xffff, v45;
	vm4 =	vlt.s32 v30, $0x40000000;
	v46 =	vsel vm6, $0x1, v3  }
0x143: {  	v26 =	vadd.s32 $0xFFFFFFFF, v26;
	v25 =	vadd.s32 v47, v25;
	(xrf0) =	vadd.scan.msk.s32 $0xffff, v46;
	v48 =	vsel vm4, $0x1, v3  }
0x144: {  	v27 =	vnsel vm9, $0x3F, v27;
	vm12 =	vlt.s32 v26, $0x3F;
	v25 =	vadd.s32 $0xFFFFFFFF, v25;
	(xrf0) =	vadd.scan.msk.s32 $0xffff, v48  }
0x145: {  	v32 =	vmpcnt.ones.xlane vm7;
	v26 =	vnsel vm12, $0x3F, v26;
	vm13 =	vlt.s32 v25, $0x3F  }
0x146: {  	vm7 =	vmmov vm7;
	v49 =	vmpcnt.ones.xlane vm8;
	v25 =	vnsel vm13, $0x3F, v25;
	v51, _, _ =	vpop (xrf0)  }
0x147: {  	v23 =	vadd.s32 v23, v32;
	v50 =	vmpcnt.ones.xlane vm6;
	v22 =	vadd.s32 v51, v22  }
0x148: {  	vm8 =	vmmov vm8;
	v31 =	vadd.s32 v23, v49;
	v52, _, _ =	vpop (xrf0);
	v22 =	vadd.s32 $0xFFFFFFFF, v22  }
0x149: {  	v29 =	vadd.s32 v31, v50;
	v23 =	vadd.s32 v52, v23;
	v53, _, _ =	vpop (xrf0);
	vm14 =	vlt.s32 v22, $0x3F  }
0x14a: {  	v23 =	vadd.s32 $0xFFFFFFFF, v23;
	v31 =	vadd.s32 v53, v31;
	v54, _, _ =	vpop (xrf0);
	v22 =	vnsel vm14, $0x3F, v22  }
0x14b: {  	[tilespmem:v24+s17+$0x0] =	vst.idx.msk vm0, v14;
	vm15 =	vlt.s32 v23, $0x3F;
	v14 =	vadd.s32 $0xFFFFFFFF, v31;
	v55 =	vadd.s32 v54, v29  }
0x14c: {  	[tilespmem:v28+s17+$0x0] =	vst.idx.msk vm2, v15;
	v15 =	vnsel vm15, $0x3F, v23;
	vm2 =	vlt.s32 v14, $0x3F;
	v23 =	vadd.s32 $0xFFFFFFFF, v55  }
0x14d: {  	[tilespmem:v27+s17+$0x0] =	vst.idx.msk vm1, v16;
	vm1 =	vmmov vm4;
	vm4 =	vlt.s32 v23, $0x3F;
	v14 =	vnsel vm2, $0x3F, v14  }
0x14e: {  	[tilespmem:v26+s17+$0x0] =	vst.idx.msk vm5, v17;
	v16 =	vnsel vm4, $0x3F, v23  }
0x14f: {  	[tilespmem:v25+s17+$0x0] =	vst.idx.msk vm3, v18  }
0x150: {  	[tilespmem:v22+s17+$0x0] =	vst.idx.msk vm7, v21  }
0x151: {  	[tilespmem:v15+s17+$0x0] =	vst.idx.msk vm8, v20  }
0x152: {  	vm0 =	vmmov vm6;
	[tilespmem:v14+s17+$0x0] =	vst.idx.msk vm6, v19  }
0x153: {  	s29 =	simm.s32 $0x40000000;
	vm0 =	vgt.s32 v8, $0x3FFFFFFF;
	[tilespmem:v16+s17+$0x0] =	vst.idx.msk vm1, v30  }
0x154: {  	v13 =	vsel vm0, $0xC0400000, v13;
	vm0 =	vgt.s32 v7, $0x3FFFFFFF;
	vm1 =	veq.s32 v8, s29;
	v14 =	vld [tilespmem:$0x5300]  }
0x155: {  	v15 =	vsel vm0, $0xC0400000, v12;
	vm0 =	vgt.s32 v6, $0x3FFFFFFF;
	v22 =	vsel vm1, $0xC0400000, v13  }
0x156: {  	v16 =	vsel vm0, $0xC0400000, v11;
	vm0 =	vlt.s32 v8, $0x40000000;
	vm1 =	veq.f32 v22, $-9.000000000e+00  }
0x157: {  	vm5 =	veq.s32 v7, s29;
	v12 =	vld [tilespmem:$0x5310];
	vm3 =	vgt.f32 v22, $-9.000000000e+00;
	vm1 =	vmand vm0, vm1  }
0x158: {  	vm2 =	vgt.s32 v5, $0x3FFFFFFF;
	v13 =	vsel vm5, $0xC0400000, v15;
	vm1 =	vmor vm3, vm1  }
0x159: {  	v17 =	vnsel vm1, $0xC1100000, v22;
	v18 =	vnsel vm1, $0x40000000, v8;
	vm4 =	vlt.s32 v14, $0x27FF  }
0x15a: {  	v11 =	vld [tilespmem:$0x5320];
	vm1 =	veq.f32 v13, v17;
	vm3 =	vlt.s32 v7, v18;
	v19 =	vnsel vm4, $0x27FF, v14  }
0x15b: {  	v20 =	vsel vm2, $0xC0400000, v10;
	vm2 =	vgt.f32 v13, v17;
	vm1 =	vmand vm1, vm3  }
0x15c: {  	vm3 =	vlt.s32 v12, $0x27FF;
	vm4 =	veq.s32 v6, s29;
	vm1 =	vmor vm2, vm1  }
0x15d: {  	v15 =	vsel vm4, $0xC0400000, v16;
	v17 =	vsel vm1, v13, v17;
	v18 =	vsel vm1, v7, v18  }
0x15e: {  	v21 =	vnsel vm3, $0x27FF, v12;
	vm1 =	veq.f32 v15, v17;
	vm2 =	vlt.s32 v6, v18  }
0x15f: {  	vm3 =	vlt.s32 v11, $0x27FF;
	vm4 =	vgt.f32 v15, v17;
	vm1 =	vmand vm1, vm2;
	v19 =	vld.idx.msk [tilespmem:v19+s14+$0x0], $0xffff  }
0x160: {  	v23 =	vnsel vm3, $0x27FF, v11;
	vm2 =	veq.s32 v5, s29;
	vm1 =	vmor vm4, vm1  }
0x161: {  	v10 =	vld [tilespmem:$0x5330];
	v16 =	vsel vm2, $0xC0400000, v20;
	v56 =	vsel vm1, v15, v17;
	v57 =	vsel vm1, v6, v18  }
0x162: {  	vm1 =	veq.f32 v16, v56;
	vm2 =	vlt.s32 v5, v57  }
0x163: {  	vm3 =	vgt.s32 v14, $0x3FFFFFFF;
	v18 =	vld.idx.msk [tilespmem:v21+s14+$0x0], $0xffff;
	vm4 =	vgt.f32 v16, v56;
	vm1 =	vmand vm1, vm2  }
0x164: {  	vm2 =	veq.s32 v14, s29;
	v17 =	vsel vm3, $0xC0400000, v19;
	vm3 =	vmor vm4, vm1  }
0x165: {  	vm4 =	vgt.s32 v12, $0x3FFFFFFF;
	v17 =	vsel vm2, $0xC0400000, v17;
	v20 =	vsel vm3, v16, v56  }
0x166: {  	v19 =	vld.idx.msk [tilespmem:v23+s14+$0x0], $0xffff;
	vm1 =	vlt.s32 v14, $0x40000000;
	vm2 =	vlt.s32 v10, $0x27FF;
	vm5 =	veq.f32 v17, $-9.000000000e+00;
	(xrf0) =	vmax.scan.msk.f32 $0xffff, v20  }
0x167: {  	v21 =	vnsel vm2, $0x27FF, v10;
	vm2 =	vgt.f32 v17, $-9.000000000e+00;
	vm5 =	vmand vm1, vm5  }
0x168: {  	v18 =	vsel vm4, $0xC0400000, v18;
	vm4 =	veq.s32 v12, s29;
	vm2 =	vmor vm2, vm5  }
0x169: {  	v18 =	vsel vm4, $0xC0400000, v18;
	v23 =	vnsel vm2, $0xC1100000, v17;
	v58 =	vnsel vm2, $0x40000000, v14  }
0x16a: {  	vm2 =	vgt.s32 v11, $0x3FFFFFFF;
	vm4 =	veq.f32 v18, v23;
	vm5 =	vlt.s32 v12, v58  }
0x16b: {  	v19 =	vsel vm2, $0xC0400000, v19;
	vm2 =	vgt.f32 v18, v23;
	vm4 =	vmand vm4, vm5  }
0x16c: {  	vm6 =	veq.s32 v11, s29;
	v25 =	vsel vm3, v5, v57;
	v21 =	vld.idx.msk [tilespmem:v21+s14+$0x0], $0xffff;
	vm2 =	vmor vm2, vm4;
	v59, _, _ =	vpop (xrf0)  }
0x16d: {  	v19 =	vsel vm6, $0xC0400000, v19;
	v23 =	vsel vm2, v18, v23;
	v26 =	vbroadcast v59, $0xF  }
0x16e: {  	vm5 =	vgt.s32 v10, $0x3FFFFFFF;
	v24 =	vsel vm2, v12, v58;
	vm2 =	veq.f32 v19, v23  }
0x16f: {  	vm3 =	vlt.s32 v11, v24;
	vm6 =	vgt.f32 v19, v23;
	vm4 =	veq.f32 v20, v26  }
0x170: {  	v20 =	vxor.u32 $0x80000000, v25;
	vm2 =	vmand vm2, vm3;
	vm3 =	veq.s32 v10, s29  }
0x171: {  	v20 =	vnsel vm4, $0xC0000000, v20;
	v21 =	vsel vm5, $0xC0400000, v21;
	vm2 =	vmor vm6, vm2  }
0x172: {  	(xrf0) =	vmin.scan.msk.u32 $0xffff, v20;
	v20 =	vsel vm3, $0xC0400000, v21;
	v21 =	vsel vm2, v19, v23;
	v23 =	vsel vm2, v11, v24  }
0x173: {  	vm2 =	veq.f32 v20, v21;
	vm3 =	vlt.s32 v10, v23  }
0x174: {  	vm4 =	vgt.f32 v20, v21;
	vm2 =	vmand vm2, vm3  }
0x175: {  	vm2 =	vmor vm4, vm2  }
0x176: {  	v21 =	vsel vm2, v20, v21  }
0x177: {  	(xrf0) =	vmax.scan.msk.f32 $0xffff, v21;
	_ =	sdelay $0x1  }
0x178: {  	v60, _, _ =	vpop (xrf0)  }
0x179: {  	(v2sf) =	vpush v60, $0xF;
	_ =	sdelay $0x2  }
0x17a: {  	v61, _, _ =	vpop (xrf0)  }
0x17b: {  	v24 =	vbroadcast v61, $0xF  }
0x17c: {  	v23 =	vsel vm2, v10, v23  }
0x17d: {  	v23 =	vxor.u32 $0x80000000, v23;
	vm2 =	veq.f32 v21, v24  }
0x17e: {  	s30 =	simm.s32 $0x0;
	v23 =	vnsel vm2, $0xC0000000, v23  }
0x17f: {  	v21 =	vmov s30;
	(xrf0) =	vmin.scan.msk.u32 $0xffff, v23  }
0x180: {  	v21 =	vand.u32 $0x7F, v21  }
0x181: {  	v21 =	vbroadcast v21, $0x0  }
0x182: {  	v4 =	vshll.u32 v4, $0x7  }
0x183: {  	v23 =	vor.u32 v4, v21  }
0x184: {  	v9 =	vshll.u32 v9, $0x7  }
0x185: {  	v21 =	vor.u32 v9, v21;
	v62, _, _ =	vpop (xrf0)  }
0x186: {  	s31 =	spop (v2sf);
	(v2sf) =	vpush v62, $0xF  }
0x187: {  	s25 =	sxor.u32 $0x80000000, s31  }
0x188: {  	[tilespmem:v23+s19+$0x0] =	vst.idx.msk $0x1, v26;
	vm2 =	veq.s32 v8, s25;
	v63 =	vmov s25  }
0x189: {  	vm4 =	veq.s32 v7, s25;
	vm3 =	veq.s32 v6, s25;
	v22 =	vsel vm2, $0xC0400000, v22;
	[tilespmem:v23+s20+$0x0] =	vst.idx.msk $0x1, v63  }
0x18a: {  	s23 =	simm.s32 $0x1;
	s24 =	simm.s32 $0x2;
	vm2 =	veq.s32 v5, s25;
	vm5 =	vgt.f32 v22, $-9.000000000e+00;
	vm6 =	veq.f32 v22, $-9.000000000e+00;
	[tilespmem:v21+s19+$0x0] =	vst.idx.msk $0x1, v24  }
.LBB2_11:
0x18b: {  	p0 =	sne.s32 s24, $0x20;
	vm6 =	vmand vm0, vm6;
	s25 =	smov.u32 s24;
	s24 =	sadd.s32 $0x1, s24  }
0x18c: {  	vm5 =	vmor vm5, vm6  }
0x18d: {  	v13 =	vsel vm4, $0xC0400000, v13;
	v23 =	vnsel vm5, $0xC1100000, v22;
	v24 =	vnsel vm5, $0x40000000, v8  }
0x18e: {  	vm4 =	veq.f32 v13, v23;
	vm5 =	vlt.s32 v7, v24  }
0x18f: {  	vm6 =	vgt.f32 v13, v23;
	vm4 =	vmand vm4, vm5  }
0x190: {  	vm4 =	vmor vm6, vm4  }
0x191: {  	v15 =	vsel vm3, $0xC0400000, v15;
	v23 =	vsel vm4, v13, v23;
	v24 =	vsel vm4, v7, v24  }
0x192: {  	vm3 =	veq.f32 v15, v23;
	vm4 =	vlt.s32 v6, v24  }
0x193: {  	vm5 =	vgt.f32 v15, v23;
	vm3 =	vmand vm3, vm4  }
0x194: {  	vm3 =	vmor vm5, vm3  }
0x195: {  	v16 =	vsel vm2, $0xC0400000, v16;
	v23 =	vsel vm3, v15, v23;
	v24 =	vsel vm3, v6, v24;
	s26 =	spop (v2sf)  }
0x196: {  	vm2 =	veq.f32 v16, v23;
	vm3 =	vlt.s32 v5, v24;
	s26 =	sxor.u32 $0x80000000, s26  }
0x197: {  	vm4 =	vgt.f32 v16, v23;
	vm2 =	vmand vm2, vm3;
	vm3 =	veq.s32 v14, s26  }
0x198: {  	v25 =	vmov s26;
	vm2 =	vmor vm4, vm2;
	v17 =	vsel vm3, $0xC0400000, v17  }
0x199: {  	vm4 =	veq.s32 v12, s26;
	v23 =	vsel vm2, v16, v23;
	vm3 =	veq.f32 v17, $-9.000000000e+00;
	[tilespmem:v21+s20+$0x0] =	vst.idx.msk $0x1, v25  }
0x19a: {  	vm6 =	veq.s32 v11, s26;
	vm5 =	vgt.f32 v17, $-9.000000000e+00;
	vm3 =	vmand vm1, vm3;
	(xrf0) =	vmax.scan.msk.f32 $0xffff, v23  }
0x19b: {  	v21 =	vsel vm2, v5, v24;
	vm2 =	vmor vm5, vm3;
	vm3 =	veq.s32 v10, s26  }
0x19c: {  	v18 =	vsel vm4, $0xC0400000, v18;
	v24 =	vnsel vm2, $0xC1100000, v17;
	v25 =	vnsel vm2, $0x40000000, v14  }
0x19d: {  	vm2 =	veq.f32 v18, v24;
	vm4 =	vlt.s32 v12, v25  }
0x19e: {  	vm5 =	vgt.f32 v18, v24;
	vm2 =	vmand vm2, vm4  }
0x19f: {  	vm2 =	vmor vm5, vm2  }
0x1a0: {  	v19 =	vsel vm6, $0xC0400000, v19;
	v24 =	vsel vm2, v18, v24;
	v25 =	vsel vm2, v12, v25;
	v26, _, _ =	vpop (xrf0)  }
0x1a1: {  	v26 =	vbroadcast v26, $0xF;
	vm2 =	veq.f32 v19, v24;
	vm4 =	vlt.s32 v11, v25  }
0x1a2: {  	v20 =	vsel vm3, $0xC0400000, v20;
	vm5 =	vgt.f32 v19, v24;
	vm2 =	vmand vm2, vm4  }
0x1a3: {  	v21 =	vxor.u32 $0x80000000, v21;
	vm3 =	veq.f32 v23, v26;
	vm2 =	vmor vm5, vm2  }
0x1a4: {  	v21 =	vnsel vm3, $0xC0000000, v21;
	v23 =	vsel vm2, v19, v24;
	v24 =	vsel vm2, v11, v25  }
0x1a5: {  	vm2 =	vgt.f32 v20, v23;
	vm3 =	veq.f32 v20, v23;
	vm4 =	vlt.s32 v10, v24;
	(xrf0) =	vmin.scan.msk.u32 $0xffff, v21  }
0x1a6: {  	vm3 =	vmand vm3, vm4  }
0x1a7: {  	vm2 =	vmor vm2, vm3  }
0x1a8: {  	v21 =	vsel vm2, v20, v23;
	v23 =	vsel vm2, v10, v24  }
0x1a9: {  	(xrf0) =	vmax.scan.msk.f32 $0xffff, v21;
	_ =	sdelay $0x1  }
0x1aa: {  	v24, _, _ =	vpop (xrf0)  }
0x1ab: {  	(v2sf) =	vpush v24, $0xF;
	_ =	sdelay $0x2  }
0x1ac: {  	v23 =	vxor.u32 $0x80000000, v23;
	v24, _, _ =	vpop (xrf0)  }
0x1ad: {  	v24 =	vbroadcast v24, $0xF;
	_ =	sdelay $0x1  }
0x1ae: {  	vm2 =	veq.f32 v21, v24  }
0x1af: {  	v21 =	vnsel vm2, $0xC0000000, v23  }
0x1b0: {  	v23 =	vmov s23;
	s23 =	smov.u32 s25;
	(xrf0) =	vmin.scan.msk.u32 $0xffff, v21  }
0x1b1: {  	v21 =	vand.u32 $0x7F, v23  }
0x1b2: {  	v21 =	vbroadcast v21, $0x0;
	_ =	sdelay $0x1  }
0x1b3: {  	v23 =	vor.u32 v4, v21;
	_ =	sdelay $0x1  }
0x1b4: {  	v21 =	vor.u32 v9, v21;
	v25, _, _ =	vpop (xrf0)  }
.Ltmp4:
0x1b5: {  	s25 =	spop (v2sf);
	(v2sf) =	vpush v25, $0xF;
	(pc) =	sbr.rel @p0 .LBB2_11-.Ltmp4, $4  }
0x1b6: {  	s25 =	sxor.u32 $0x80000000, s25  }
0x1b7: {  	vm2 =	veq.s32 v8, s25;
	vm4 =	veq.s32 v7, s25;
	[tilespmem:v23+s19+$0x0] =	vst.idx.msk $0x1, v26;
	v25 =	vmov s25  }
0x1b8: {  	vm3 =	veq.s32 v6, s25;
	v22 =	vsel vm2, $0xC0400000, v22;
	vm2 =	veq.s32 v5, s25;
	[tilespmem:v23+s20+$0x0] =	vst.idx.msk $0x1, v25  }
0x1b9: {  	vm5 =	vgt.f32 v22, $-9.000000000e+00;
	vm6 =	veq.f32 v22, $-9.000000000e+00;
	[tilespmem:v21+s19+$0x0] =	vst.idx.msk $0x1, v24  }
0x1ba: {  	_ =	sdelay $0x1  }
0x1bb: {  	vm0 =	vmand vm0, vm6  }
0x1bc: {  	vm0 =	vmor vm5, vm0  }
0x1bd: {  	v13 =	vsel vm4, $0xC0400000, v13;
	v22 =	vnsel vm0, $0xC1100000, v22;
	v8 =	vnsel vm0, $0x40000000, v8  }
0x1be: {  	vm10 =	veq.f32 v13, v22;
	vm11 =	vlt.s32 v7, v8  }
0x1bf: {  	vm12 =	vgt.f32 v13, v22;
	vm0 =	vmand vm10, vm11  }
0x1c0: {  	vm0 =	vmor vm12, vm0  }
0x1c1: {  	v47 =	vsel vm3, $0xC0400000, v15;
	v13 =	vsel vm0, v13, v22;
	v46 =	vsel vm0, v7, v8  }
0x1c2: {  	vm13 =	veq.f32 v47, v13;
	vm14 =	vlt.s32 v6, v46  }
0x1c3: {  	vm15 =	vgt.f32 v47, v13;
	vm0 =	vmand vm13, vm14;
	s24 =	spop (v2sf)  }
0x1c4: {  	v49 =	vsel vm2, $0xC0400000, v16;
	vm0 =	vmor vm15, vm0;
	s24 =	sxor.u32 $0x80000000, s24  }
0x1c5: {  	v8 =	vsel vm0, v47, v13;
	v48 =	vsel vm0, v6, v46;
	vm8 =	veq.s32 v14, s24  }
0x1c6: {  	vm2 =	veq.f32 v49, v8;
	vm9 =	vlt.s32 v5, v48;
	v50 =	vsel vm8, $0xC0400000, v17  }
0x1c7: {  	vm10 =	vgt.f32 v49, v8;
	vm2 =	vmand vm2, vm9;
	vm11 =	veq.f32 v50, $-9.000000000e+00  }
0x1c8: {  	vm13 =	veq.s32 v12, s24;
	vm12 =	vgt.f32 v50, $-9.000000000e+00;
	vm1 =	vmand vm1, vm11  }
0x1c9: {  	vm0 =	vmor vm10, vm2;
	v53 =	vsel vm13, $0xC0400000, v18;
	vm1 =	vmor vm12, vm1  }
0x1ca: {  	v7 =	vsel vm0, v49, v8;
	v51 =	vnsel vm1, $0xC1100000, v50;
	v52 =	vnsel vm1, $0x40000000, v14  }
0x1cb: {  	(xrf0) =	vmax.scan.msk.f32 $0xffff, v7;
	vm14 =	veq.f32 v53, v51;
	vm15 =	vlt.s32 v12, v52  }
0x1cc: {  	vm3 =	vgt.f32 v53, v51;
	vm1 =	vmand vm14, vm15  }
0x1cd: {  	vm5 =	veq.s32 v11, s24;
	vm1 =	vmor vm3, vm1  }
0x1ce: {  	v55 =	vsel vm5, $0xC0400000, v19;
	v8 =	vsel vm1, v53, v51;
	v54 =	vsel vm1, v12, v52  }
0x1cf: {  	vm6 =	veq.f32 v55, v8;
	vm7 =	vlt.s32 v11, v54  }
0x1d0: {  	vm9 =	veq.s32 v10, s24;
	vm8 =	vgt.f32 v55, v8;
	vm1 =	vmand vm6, vm7  }
0x1d1: {  	v57 =	vsel vm9, $0xC0400000, v20;
	v5 =	vsel vm0, v5, v48;
	v56, _, _ =	vpop (xrf0);
	vm0 =	vmor vm8, vm1  }
0x1d2: {  	v6 =	vbroadcast v56, $0xF;
	v8 =	vsel vm0, v55, v8;
	v58 =	vsel vm0, v11, v54  }
0x1d3: {  	v5 =	vxor.u32 $0x80000000, v5;
	vm11 =	veq.f32 v57, v8;
	vm12 =	vlt.s32 v10, v58  }
0x1d4: {  	vm10 =	veq.f32 v7, v6;
	vm13 =	vgt.f32 v57, v8;
	vm1 =	vmand vm11, vm12  }
0x1d5: {  	v5 =	vnsel vm10, $0xC0000000, v5;
	vm14 =	vmor vm13, vm1  }
0x1d6: {  	(xrf0) =	vmin.scan.msk.u32 $0xffff, v5;
	v5 =	vsel vm14, v57, v8  }
0x1d7: {  	(xrf0) =	vmax.scan.msk.f32 $0xffff, v5;
	_ =	sdelay $0x4  }
0x1d8: {  	v59, _, _ =	vpop (xrf0)  }
0x1d9: {  	v60, _, _ =	vpop (xrf0)  }
0x1da: {  	v8 =	vbroadcast v60, $0xF  }
0x1db: {  	v61 =	vsel vm14, v10, v58  }
0x1dc: {  	v10 =	vxor.u32 $0x80000000, v61;
	vm15 =	veq.f32 v5, v8  }
0x1dd: {  	v5 =	vnsel vm15, $0xC0000000, v10  }
0x1de: {  	(xrf0) =	vmin.scan.msk.u32 $0xffff, v5;
	_ =	sdelay $0x4  }
0x1df: {  	(v2sf) =	vpush v59, $0xF  }
0x1e0: {  	v5, _, _ =	vpop (xrf0)  }
0x1e1: {  	(v2sf) =	vpush v5, $0xF;
	_ =	sdelay $0x5  }
0x1e2: {  	v5 =	vmov s23  }
0x1e3: {  	v5 =	vand.u32 $0x7F, v5  }
0x1e4: {  	v5 =	vbroadcast v5, $0x0;
	_ =	sdelay $0x1  }
0x1e5: {  	v4 =	vor.u32 v4, v5;
	_ =	sdelay $0x1  }
0x1e6: {  	s22 =	sadd.s32 $0x1, s22;
	v5 =	vor.u32 v9, v5  }
0x1e7: {  	p0 =	sne.s32 s22, $0xA0;
	v62 =	vmov s24;
	s30 =	spop (v2sf)  }
.Ltmp5:
0x1e8: {  	[tilespmem:v21+s20+$0x0] =	vst.idx.msk $0x1, v62;
	s23 =	sxor.u32 $0x80000000, s30;
	(pc) =	sbr.rel @p0 .LBB2_2-.Ltmp5, $4  }
0x1e9: {  	v63 =	vmov s23;
	[tilespmem:v4+s19+$0x0] =	vst.idx.msk $0x1, v6;
	s31 =	spop (v2sf)  }
0x1ea: {  	[tilespmem:v4+s20+$0x0] =	vst.idx.msk $0x1, v63;
	s23 =	sxor.u32 $0x80000000, s31  }
0x1eb: {  	[tilespmem:v5+s19+$0x0] =	vst.idx.msk $0x1, v8;
	v4 =	vmov s23  }
0x1ec: {  	[tilespmem:v5+s20+$0x0] =	vst.idx.msk $0x1, v4  }
0x1ed: {  	_ =	swait.ge [sflag:s15], $0x2800  }
0x1ee: {  	[sflag:s15] =	ssyncset.done $0x0  }
0x1ef: {  	[sflag:s15] =	ssyncadd.s32 $0xFFFFD800  }
0x1f0: {  	[hbm4b:s7+s2] =	stream.linear.scatter [tilespmem:s19], [sflag:$0x3], $0xA000, $0x38;
	[tilespmem:$0x19380] =	vst v63  }
0x1f1: {  	s21 =	sadd.s32 $0x1, s21;
	_ =	swait.ge [sflag:s13], $0xA000  }
0x1f2: {  	p0 =	sne.s32 s21, s9;
	[sflag:s13] =	ssyncset.done $0x0  }
.Ltmp6:
0x1f3: {  	[sflag:s13] =	ssyncadd.s32 $0xFFFF6000;
	(pc) =	sbr.rel @p0 .LBB2_1-.Ltmp6, $4  }
0x1f4: {  	[hbm4b:s8+s2] =	stream.linear.scatter [tilespmem:s20], [sflag:$0x3], $0xA000, $0x38;
	[tilespmem:$0x19380] =	vst v63  }
0x1f5: {  	_ =	swait.ge [sflag:s13], $0xA000  }
0x1f6: {  	[sflag:s13] =	ssyncset.done $0x0  }
0x1f7: {  	[sflag:s13] =	ssyncadd.s32 $0xFFFF6000  }
0x1f8: {  	_ =	sfence.sel $0x180000  }
0x1f9: {  	[bflag:$0x0] =	sbarrier.arrive $0xFFFF  }
0x1fa: {  	p0 =	sne.s32 s1, $0x0;
	_ =	strace $0x9000004A  }
0x1fb: {  	s0 =	sadd.s32 @!p0 $0x100000, s0;
	[bflag:$0x2] =	sbarrier.arrive $0xFFFF  }
0x1fc: {  	[sflag:s0] =	ssyncadd.tile.s32 @!p0 $0x1;
	_ =	shalt  }
.Lfunc_end2:
_tile_overlayer_lowered:
.L_overlay_start_2:
0x1fd: {  	(tag) =	ssettag $0x2  }
0x1fe: {  	s0 =	rddreg [dreg:$0x0];
	s2 =	stileid.u32  }
0x1ff: {  	s1 =	rddreg [dreg:$0x1];
	p0 =	sne.s32 s2, $0x0  }
0x200: {  	s3 =	rddreg [dreg:$0x2];
	[bflag:$0x3] =	sbarrier.arrive $0xFFFF;
	s2 =	simm.s32 @!p0 $0x1C03  }
0x201: {  	[timem:s3], [sflag:s2] =	dma.local @!p0 [hbm:s0], s1  }
0x202: {  	s0 =	simm.s32 @!p0 $0x3  }
0x203: {  	_ =	swait.ge @!p0 [sflag:s0], s1  }
0x204: {  	s1 =	ssub.s32 @!p0 $0x0, s1;
	[sflag:s0] =	ssyncset.done @!p0 $0x0  }
0x205: {  	[sflag:s0] =	ssyncadd.s32 @!p0 s1  }
0x206: {  	[bflag:$0x3] =	sbarrier.arrive $0xFFFF  }
0x207: {  	_ =	shalt  }

</sc_bundles>
